<compile_context>
chip_gen: v7x
topology: tpu7x:2x2x1
jax: 0.10.2.dev20260603
libtpu: 0.0.44.dev20260713+nightly
codegen_flags: <defaults>
</compile_context>

<pallas_src>
import functools

import jax
import jax.numpy as jnp
from jax.experimental import pallas as pl
from jax.experimental.pallas import tpu as pltpu
from jax.experimental.pallas import tpu_sc as plsc

_NUM_CLASSES = 21
_OUT = 7
_SCALE = 1.0 / 16.0
_SCORE_TH = 0.05
_NMS_TH = 0.5
_NUM_DET = 50
_MIN_SIZE = 1.0
_BBOX_CLIP = 4.135166556742356
_H = 50
_W = 50
_C = 256
_NB = 128
_NPAD = 1024
_NHEAD = _NUM_CLASSES * 5
_P = 2560
_LPAD = 32
_K = _C * _OUT * _OUT


def _idx_kernel(prop_ref, rx_ref, fx_ref, fy_ref):
    ij = pl.program_id(0)
    i = ij // _OUT
    j = ij - i * _OUT
    gi = (i.astype(jnp.float32) + 0.5) / _OUT
    gj = (j.astype(jnp.float32) + 0.5) / _OUT

    b = prop_ref[...] * _SCALE
    x1 = b[:, 0:1]
    y1 = b[:, 1:2]
    x2 = b[:, 2:3]
    y2 = b[:, 3:4]
    x = jnp.clip(x1 + gj * (x2 - x1), 0.0, _W - 1.0)
    y = jnp.clip(y1 + gi * (y2 - y1), 0.0, _H - 1.0)
    x0 = jnp.clip(jnp.floor(x), 0.0, _W - 2.0)
    y0 = jnp.clip(jnp.floor(y), 0.0, _H - 2.0)
    x0i = x0.astype(jnp.int32)
    y0i = y0.astype(jnp.int32)
    rx_ref[0] = y0i * _W + x0i
    fx_ref[0] = x - x0
    fy_ref[0] = y - y0


_NROW = _OUT * _OUT * _NPAD
_NW = 32
_RPW = _NROW // _NW
_CH = 32


def _sc_gather(ridx, fquad):
    mesh = plsc.VectorSubcoreMesh(core_axis_name="c", subcore_axis_name="s")

    @functools.partial(
        pl.kernel, mesh=mesh,
        out_type=jax.ShapeDtypeStruct((_NROW, 4 * _C), jnp.float32),
        scratch_types=[
            pltpu.VMEM((_RPW,), jnp.int32),
            pltpu.VMEM((_CH, 4 * _C), jnp.float32),
            pltpu.VMEM((_CH, 4 * _C), jnp.float32),
            pltpu.SemaphoreType.DMA,
            pltpu.SemaphoreType.DMA,
        ],
    )
    def gather_k(ridx_hbm, fquad_hbm, out_hbm, idx_v, buf0, buf1, sem0, sem1):
        wid = jax.lax.axis_index("s") * 2 + jax.lax.axis_index("c")
        base = wid * _RPW
        nch = _RPW // _CH
        pltpu.sync_copy(ridx_hbm.at[pl.ds(base, _RPW)], idx_v)

        pltpu.async_copy(fquad_hbm.at[idx_v.at[pl.ds(0, _CH)]], buf0, sem0)

        def step(g, carry):
            buf_cur = [buf0, buf1]
            sem_cur = [sem0, sem1]
            for par in (0, 1):
                @pl.when((g % 2) == par)
                def _():
                    nxt = buf_cur[1 - par]
                    snx = sem_cur[1 - par]

                    @pl.when(g + 1 < nch)
                    def _():
                        pltpu.async_copy(
                            fquad_hbm.at[idx_v.at[pl.ds((g + 1) * _CH, _CH)]],
                            nxt, snx)

                    pltpu.make_async_copy(
                        fquad_hbm.at[pl.ds(0, _CH)], buf_cur[par],
                        sem_cur[par]).wait()
                    pltpu.sync_copy(
                        buf_cur[par], out_hbm.at[pl.ds(base + g * _CH, _CH)])
            return carry

        jax.lax.fori_loop(0, nch, step, 0)

    return gather_k(ridx, fquad)


def _weight_kernel(g_ref, fx_ref, fy_ref, out_ref):
    q = g_ref[...]
    g00 = q[:, 0 * _C:1 * _C]
    g01 = q[:, 1 * _C:2 * _C]
    g10 = q[:, 2 * _C:3 * _C]
    g11 = q[:, 3 * _C:4 * _C]
    fx = fx_ref[0]
    fy = fy_ref[0]
    out_ref[0] = (g00 * (1.0 - fy) * (1.0 - fx)
                  + g01 * (1.0 - fy) * fx
                  + g10 * fy * (1.0 - fx)
                  + g11 * fy * fx)


def _fc_kernel(x_ref, w1_ref, b1_ref, wc_ref, bc_ref, out_ref):
    h = jax.lax.dot_general(x_ref[...], w1_ref[...], (((1,), (0,)), ((), ())),
                            preferred_element_type=jnp.float32,
                            precision=jax.lax.Precision.DEFAULT)
    h = jnp.maximum(h + b1_ref[...], 0.0)
    out_ref[...] = jax.lax.dot_general(
        h, wc_ref[...], (((1,), (0,)), ((), ())),
        preferred_element_type=jnp.float32,
        precision=jax.lax.Precision.DEFAULT) + bc_ref[...]


def _heads(feature, proposal, W1, b1, Wcls, bcls, Wreg, breg):
    f2 = jnp.zeros((_H * _W + 51, _C), jnp.float32).at[:_H * _W].set(
        feature.transpose(1, 2, 0).reshape(_H * _W, _C))
    fquad = jnp.concatenate(
        [f2[0:2500], f2[1:2501], f2[50:2550], f2[51:2551]], axis=1)
    prop_pad = jnp.zeros((_NPAD, 4), jnp.float32).at[:1000].set(proposal)

    nblk = _OUT * _OUT * (_NPAD // _NB)
    ridx3, fx3, fy3 = pl.pallas_call(
        _idx_kernel,
        grid=(_OUT * _OUT, _NPAD // _NB),
        in_specs=[pl.BlockSpec((_NB, 4), lambda ij, k: (k, 0))],
        out_specs=[
            pl.BlockSpec((1, _NB, 1), lambda ij, k: (ij * 8 + k, 0, 0)),
            pl.BlockSpec((1, _NB, 1), lambda ij, k: (ij * 8 + k, 0, 0)),
            pl.BlockSpec((1, _NB, 1), lambda ij, k: (ij * 8 + k, 0, 0)),
        ],
        out_shape=[
            jax.ShapeDtypeStruct((nblk, _NB, 1), jnp.int32),
            jax.ShapeDtypeStruct((nblk, _NB, 1), jnp.float32),
            jax.ShapeDtypeStruct((nblk, _NB, 1), jnp.float32),
        ],
    )(prop_pad)

    gq = _sc_gather(ridx3.reshape(_NROW), fquad)

    pooled = pl.pallas_call(
        _weight_kernel,
        grid=(_OUT * _OUT, _NPAD // _NB),
        in_specs=[
            pl.BlockSpec((_NB, 4 * _C), lambda ij, k: (ij * 8 + k, 0)),
            pl.BlockSpec((1, _NB, 1), lambda ij, k: (ij * 8 + k, 0, 0)),
            pl.BlockSpec((1, _NB, 1), lambda ij, k: (ij * 8 + k, 0, 0)),
        ],
        out_specs=pl.BlockSpec((1, _NB, _C), lambda ij, k: (ij, k, 0)),
        out_shape=jax.ShapeDtypeStruct((_OUT * _OUT, _NPAD, _C), jnp.float32),
    )(gq, fx3, fy3)

    xmat = pooled.transpose(1, 2, 0).reshape(_NPAD, _K)
    wcat = jnp.concatenate([Wcls, Wreg], axis=1)
    bcat = jnp.concatenate([bcls, breg]).reshape(1, _NHEAD)

    out = pl.pallas_call(
        _fc_kernel,
        grid=(_NPAD // _NB,),
        in_specs=[
            pl.BlockSpec((_NB, _K), lambda k: (k, 0)),
            pl.BlockSpec((_K, 1024), lambda k: (0, 0)),
            pl.BlockSpec((1, 1024), lambda k: (0, 0)),
            pl.BlockSpec((1024, _NHEAD), lambda k: (0, 0)),
            pl.BlockSpec((1, _NHEAD), lambda k: (0, 0)),
        ],
        out_specs=pl.BlockSpec((_NB, _NHEAD), lambda k: (k, 0)),
        out_shape=jax.ShapeDtypeStruct((_NPAD, _NHEAD), jnp.float32),
        compiler_params=pltpu.CompilerParams(
            vmem_limit_bytes=100 * 1024 * 1024),
    )(xmat, W1, b1.reshape(1, 1024), wcat, bcat)
    return out[:1000]


def _nms_kernel(lg_ref, dx_ref, dy_ref, dw_ref, dh_ref, prop_ref, img_ref,
                x1_ref, y1_ref, x2_ref, y2_ref, s_ref, l_ref):
    L, N = lg_ref.shape
    hm1 = img_ref[0:1, 0:1] - 1.0
    wm1 = img_ref[0:1, 1:2] - 1.0

    lg = lg_ref[...]
    m = jnp.max(lg, axis=0, keepdims=True)
    e = jnp.exp(lg - m)
    score = e / jnp.sum(e, axis=0, keepdims=True)

    dx = dx_ref[...] * 0.1
    dy = dy_ref[...] * 0.1
    dw = jnp.minimum(dw_ref[...] * 0.2, _BBOX_CLIP)
    dh = jnp.minimum(dh_ref[...] * 0.2, _BBOX_CLIP)

    px1 = prop_ref[0:1, :]
    py1 = prop_ref[1:2, :]
    px2 = prop_ref[2:3, :]
    py2 = prop_ref[3:4, :]
    w = px2 - px1
    h = py2 - py1
    cx = px1 + 0.5 * w
    cy = py1 + 0.5 * h
    pcx = dx * w + cx
    pcy = dy * h + cy
    pw = jnp.exp(dw) * w
    ph = jnp.exp(dh) * h
    bx1 = jnp.minimum(jnp.maximum(pcx - 0.5 * pw, 0.0), wm1)
    by1 = jnp.minimum(jnp.maximum(pcy - 0.5 * ph, 0.0), hm1)
    bx2 = jnp.minimum(jnp.maximum(pcx + 0.5 * pw, 0.0), wm1)
    by2 = jnp.minimum(jnp.maximum(pcy + 0.5 * ph, 0.0), hm1)
    ws = bx2 - bx1
    hs = by2 - by1
    areas = ws * hs
    lane = jax.lax.broadcasted_iota(jnp.int32, (L, N), 1)
    valid = ((ws >= _MIN_SIZE) & (hs >= _MIN_SIZE) & (score >= _SCORE_TH)
             & (lane < 1000))
    neg = jnp.float32(-1e9)
    s0 = jnp.where(valid, score, neg)

    col = jax.lax.broadcasted_iota(jnp.int32, (L, _NUM_DET), 1)
    zer = jnp.zeros((L, _NUM_DET), jnp.float32)

    def body(t, carry):
        s, os_, ox1, oy1, ox2, oy2 = carry
        mt = jnp.max(s, axis=1, keepdims=True)
        idx = jnp.min(jnp.where(s == mt, lane, jnp.int32(2**30)),
                      axis=1, keepdims=True)
        oh = lane == idx
        sx1 = jnp.sum(jnp.where(oh, bx1, 0.0), axis=1, keepdims=True)
        sy1 = jnp.sum(jnp.where(oh, by1, 0.0), axis=1, keepdims=True)
        sx2 = jnp.sum(jnp.where(oh, bx2, 0.0), axis=1, keepdims=True)
        sy2 = jnp.sum(jnp.where(oh, by2, 0.0), axis=1, keepdims=True)
        xx1 = jnp.maximum(sx1, bx1)
        yy1 = jnp.maximum(sy1, by1)
        xx2 = jnp.minimum(sx2, bx2)
        yy2 = jnp.minimum(sy2, by2)
        inter = (jnp.maximum(xx2 - xx1, 0.0) * jnp.maximum(yy2 - yy1, 0.0))
        ai = (sx2 - sx1) * (sy2 - sy1)
        iou = inter / (ai + areas - inter + 1e-9)
        s = jnp.where(iou > _NMS_TH, neg, s)
        s = jnp.where(oh, neg, s)
        cm = col == t
        os_ = jnp.where(cm, mt, os_)
        ox1 = jnp.where(cm, sx1, ox1)
        oy1 = jnp.where(cm, sy1, oy1)
        ox2 = jnp.where(cm, sx2, ox2)
        oy2 = jnp.where(cm, sy2, oy2)
        return s, os_, ox1, oy1, ox2, oy2

    s, os_, ox1, oy1, ox2, oy2 = jax.lax.fori_loop(
        0, _NUM_DET, body, (s0, zer, zer, zer, zer, zer))

    v = os_ >= _SCORE_TH
    rowl = jax.lax.broadcasted_iota(jnp.int32, (L, _NUM_DET), 0)
    x1_ref[...] = jnp.where(v, ox1, 0.0)
    y1_ref[...] = jnp.where(v, oy1, 0.0)
    x2_ref[...] = jnp.where(v, ox2, 0.0)
    y2_ref[...] = jnp.where(v, oy2, 0.0)
    s_ref[...] = jnp.where(v, os_, 0.0)
    l_ref[...] = jnp.where(v, rowl, 0)


def kernel(feature, proposal, W1, b1, Wcls, bcls, Wreg, breg, image_shape):
    out = _heads(feature, proposal, W1, b1, Wcls, bcls, Wreg, breg)

    def padLN(a, fill=0.0):
        return jnp.full((_LPAD, _NPAD), fill, jnp.float32).at[
            :_NUM_CLASSES, :1000].set(a)

    logitT = padLN(out[:, :_NUM_CLASSES].T, -1e5)
    dxT = padLN(out[:, _NUM_CLASSES + 0::4].T)
    dyT = padLN(out[:, _NUM_CLASSES + 1::4].T)
    dwT = padLN(out[:, _NUM_CLASSES + 2::4].T)
    dhT = padLN(out[:, _NUM_CLASSES + 3::4].T)
    propT = jnp.zeros((8, _NPAD), jnp.float32).at[:4, :1000].set(proposal.T)
    imgf = jnp.asarray(image_shape, jnp.float32).reshape(1, 2)

    shp = (_LPAD, _NUM_DET)
    x1o, y1o, x2o, y2o, so, lo = pl.pallas_call(
        _nms_kernel,
        out_shape=[
            jax.ShapeDtypeStruct(shp, jnp.float32),
            jax.ShapeDtypeStruct(shp, jnp.float32),
            jax.ShapeDtypeStruct(shp, jnp.float32),
            jax.ShapeDtypeStruct(shp, jnp.float32),
            jax.ShapeDtypeStruct(shp, jnp.float32),
            jax.ShapeDtypeStruct(shp, jnp.int32),
        ],
    )(logitT, dxT, dyT, dwT, dhT, propT, imgf)

    boxes = jnp.stack([x1o, y1o, x2o, y2o], axis=-1)[1:_NUM_CLASSES]
    return boxes, so[1:_NUM_CLASSES], lo[1:_NUM_CLASSES]

# --- scband reference (transcript-rebuilt; emitter-appended) ---
"""Pipeline reference for scband-ro-iheads-3762391351654 (READ-ONLY COPY).

The authoritative reference and input builder live on the scoring server;
editing this copy changes nothing except your own understanding.
"""

import jax, jax.numpy as jnp
import numpy as np

NUM_CLASSES = 21
OUT = 7
SCALE = 1.0 / 16.0
SCORE_TH = 0.05
NMS_TH = 0.5
NUM_DET = 50
MIN_SIZE = 1.0
BBOX_XFORM_CLIP = float(np.log(1000.0 / 16.0))
WX, WY, WW, WH = 10.0, 10.0, 5.0, 5.0


def setup_inputs(seed: int = 0):
    key = jax.random.key(seed)
    ks = jax.random.split(key, 8)
    feature = jax.random.normal(ks[0], (256, 50, 50), dtype=jnp.float32)
    u = jax.random.uniform(ks[1], (1000, 4), dtype=jnp.float32)
    x1 = u[:, 0] * 700.0
    y1 = u[:, 1] * 700.0
    bw = 20.0 + u[:, 2] * 120.0
    bh = 20.0 + u[:, 3] * 120.0
    proposal = jnp.stack([x1, y1, jnp.minimum(x1 + bw, 799.0), jnp.minimum(y1 + bh, 799.0)], axis=1)
    W1 = jax.random.normal(ks[2], (256 * OUT * OUT, 1024), dtype=jnp.float32) * 0.01
    b1 = jnp.zeros((1024,), jnp.float32)
    Wcls = jax.random.normal(ks[3], (1024, NUM_CLASSES), dtype=jnp.float32) * 0.05
    bcls = jnp.zeros((NUM_CLASSES,), jnp.float32)
    Wreg = jax.random.normal(ks[4], (1024, NUM_CLASSES * 4), dtype=jnp.float32) * 0.01
    breg = jnp.zeros((NUM_CLASSES * 4,), jnp.float32)
    image_shape = jnp.array([800, 800], dtype=jnp.int32)
    return {"feature": feature, "proposal": proposal, "W1": W1, "b1": b1, "Wcls": Wcls, "bcls": bcls, "Wreg": Wreg, "breg": breg, "image_shape": image_shape}


def roi_align(feat, boxes):
    C, H, W = feat.shape
    N = boxes.shape[0]
    b = boxes * SCALE
    grid = (jnp.arange(OUT, dtype=jnp.float32) + 0.5) / OUT
    xs = b[:, 0:1] + grid[None, :] * (b[:, 2:3] - b[:, 0:1])
    ys = b[:, 1:2] + grid[None, :] * (b[:, 3:4] - b[:, 1:2])
    xx = jnp.broadcast_to(xs[:, None, :], (N, OUT, OUT))
    yy = jnp.broadcast_to(ys[:, :, None], (N, OUT, OUT))
    x = jnp.clip(xx, 0.0, W - 1.0)
    y = jnp.clip(yy, 0.0, H - 1.0)
    x0 = jnp.clip(jnp.floor(x), 0.0, W - 2.0).astype(jnp.int32)
    y0 = jnp.clip(jnp.floor(y), 0.0, H - 2.0).astype(jnp.int32)
    fx = x - x0.astype(jnp.float32)
    fy = y - y0.astype(jnp.float32)
    def g(yi, xi):
        return feat[:, yi, xi]
    v = (g(y0, x0) * (1.0 - fy) * (1.0 - fx)
         + g(y0, x0 + 1) * (1.0 - fy) * fx
         + g(y0 + 1, x0) * fy * (1.0 - fx)
         + g(y0 + 1, x0 + 1) * fy * fx)
    return jnp.transpose(v, (1, 0, 2, 3))


def decode(delta, boxes):
    dx = delta[:, 0] / WX
    dy = delta[:, 1] / WY
    dw = jnp.minimum(delta[:, 2] / WW, BBOX_XFORM_CLIP)
    dh = jnp.minimum(delta[:, 3] / WH, BBOX_XFORM_CLIP)
    w = boxes[:, 2] - boxes[:, 0]
    h = boxes[:, 3] - boxes[:, 1]
    cx = boxes[:, 0] + 0.5 * w
    cy = boxes[:, 1] + 0.5 * h
    pcx = dx * w + cx
    pcy = dy * h + cy
    pw = jnp.exp(dw) * w
    ph = jnp.exp(dh) * h
    return jnp.stack([pcx - 0.5 * pw, pcy - 0.5 * ph, pcx + 0.5 * pw, pcy + 0.5 * ph], axis=1)


def nms_fixed(box, score):
    areas = (box[:, 2] - box[:, 0]) * (box[:, 3] - box[:, 1])
    s = score
    sel = []
    for _ in range(NUM_DET):
        i = jnp.argmax(s)
        sel.append(i)
        bi = box[i]
        xx1 = jnp.maximum(bi[0], box[:, 0])
        yy1 = jnp.maximum(bi[1], box[:, 1])
        xx2 = jnp.minimum(bi[2], box[:, 2])
        yy2 = jnp.minimum(bi[3], box[:, 3])
        inter = jnp.clip(xx2 - xx1, 0.0) * jnp.clip(yy2 - yy1, 0.0)
        ai = (bi[2] - bi[0]) * (bi[3] - bi[1])
        iou = inter / (ai + areas - inter + 1e-9)
        s = jnp.where(iou > NMS_TH, -1e9, s)
        s = s.at[i].set(-1e9)
    return jnp.stack(sel)


def fastrcnn_inference(class_logit, box_regression, proposal, img_h, img_w):
    N = class_logit.shape[0]
    pred_score = jax.nn.softmax(class_logit, axis=-1)
    reg = box_regression.reshape(N, NUM_CLASSES, 4)
    out_b, out_s, out_l = [], [], []
    for l in range(1, NUM_CLASSES):
        score = pred_score[:, l]
        box = decode(reg[:, l], proposal)
        box = jnp.stack([
            jnp.clip(box[:, 0], 0.0, img_w - 1.0),
            jnp.clip(box[:, 1], 0.0, img_h - 1.0),
            jnp.clip(box[:, 2], 0.0, img_w - 1.0),
            jnp.clip(box[:, 3], 0.0, img_h - 1.0)], axis=1)
        ws = box[:, 2] - box[:, 0]
        hs = box[:, 3] - box[:, 1]
        valid0 = (ws >= MIN_SIZE) & (hs >= MIN_SIZE) & (score >= SCORE_TH)
        smask = jnp.where(valid0, score, -1e9)
        idx = nms_fixed(box, smask)
        b = box[idx]
        s = smask[idx]
        v = s >= SCORE_TH
        out_b.append(jnp.where(v[:, None], b, 0.0))
        out_s.append(jnp.where(v, s, 0.0))
        out_l.append(jnp.where(v, l, 0).astype(jnp.int32))
    return jnp.stack(out_b), jnp.stack(out_s), jnp.stack(out_l)


def reference(feature, proposal, W1, b1, Wcls, bcls, Wreg, breg, image_shape):
    img_h = jnp.asarray(image_shape[0], jnp.float32)
    img_w = jnp.asarray(image_shape[1], jnp.float32)
    pooled = roi_align(feature, proposal)
    h = jax.nn.relu(pooled.reshape(pooled.shape[0], -1) @ W1 + b1)
    class_logit = h @ Wcls + bcls
    box_regression = h @ Wreg + breg
    return fastrcnn_inference(class_logit, box_regression, proposal, img_h, img_w)

if __name__ == "__main__":
    import jax
    _d = setup_inputs()
    print(jax.jit(kernel)(*tuple(_d.values())))

</pallas_src>

<mosaic_0001>
#map = affine_map<(d0, d1) -> (0)>
#map1 = affine_map<(d0, d1) -> (0, 0)>
module attributes {stable_mosaic.version = 14 : i64} {
  func.func @gather_k(%arg0: i32, %arg1: i32, %arg2: memref<50176xi32, #tpu.memory_space<hbm>>, %arg3: memref<2500x1024xf32, #tpu.memory_space<hbm>>, %arg4: memref<50176x1024xf32, #tpu.memory_space<hbm>>, %arg5: memref<1568xi32, #tpu.memory_space<vmem>>, %arg6: memref<32x1024xf32, #tpu.memory_space<vmem>>, %arg7: memref<32x1024xf32, #tpu.memory_space<vmem>>, %arg8: memref<!tpu.dma_semaphore, #tpu.memory_space<semaphore_mem>>, %arg9: memref<!tpu.dma_semaphore, #tpu.memory_space<semaphore_mem>>) attributes {dimension_semantics = [#tpu.dimension_semantics<core_parallel>, #tpu.dimension_semantics<subcore_parallel>], iteration_bounds = array<i64: 2, 16>, scalar_prefetch = 0 : i64, scratch_operands = 5 : i64, tpu.core_type = #tpu.core_type<sc_vector_subcore>, window_params = [{transform_indices = #map}, {transform_indices = #map1}, {transform_indices = #map1}]} {
    %mul3A = arith.constant 2 : i32
    %mul3A_0 = arith.muli %arg1, %mul3A : i32
    %add3A = arith.addi %mul3A_0, %arg0 : i32
    %mul3A_1 = arith.constant 1568 : i32
    %mul3A_2 = arith.muli %add3A, %mul3A_1 : i32
    "tpu.region"() ({
      %run_scoped3A = tpu.sem_alloc : memref<!tpu.dma_semaphore, #tpu.memory_space<semaphore_mem>>
      %dma_start3A_12 = tpu.memref_slice %arg2[%mul3A_2] : memref<50176xi32, #tpu.memory_space<hbm>> -> memref<1568xi32, #tpu.memory_space<hbm>>
      %dma_start3A_13 = tpu.memref_slice %arg2[%mul3A_2] : memref<50176xi32, #tpu.memory_space<hbm>> -> memref<1568xi32, #tpu.memory_space<hbm>>
      tpu.enqueue_dma source(%dma_start3A_13 : memref<1568xi32, #tpu.memory_space<hbm>>) target(%arg5 : memref<1568xi32, #tpu.memory_space<vmem>>) target_semaphore(%run_scoped3A : memref<!tpu.dma_semaphore, #tpu.memory_space<semaphore_mem>>)
      %dma_wait3A = tpu.memref_slice %arg2[%mul3A_2] : memref<50176xi32, #tpu.memory_space<hbm>> -> memref<1568xi32, #tpu.memory_space<hbm>>
      %dma_wait3A_14 = tpu.memref_slice %arg2[%mul3A_2] : memref<50176xi32, #tpu.memory_space<hbm>> -> memref<1568xi32, #tpu.memory_space<hbm>>
      tpu.wait_dma2 semaphore(%run_scoped3A : memref<!tpu.dma_semaphore, #tpu.memory_space<semaphore_mem>>) src(%dma_wait3A_14 : memref<1568xi32, #tpu.memory_space<hbm>>) dst(%arg5 : memref<1568xi32, #tpu.memory_space<vmem>>)
      tpu.yield
    }) : () -> ()
    %dma_start3A = arith.constant 0 : i32
    %dma_start3A_3 = tpu.memref_slice %arg5[%dma_start3A] : memref<1568xi32, #tpu.memory_space<vmem>> -> memref<32xi32, #tpu.memory_space<vmem>>
    %dma_start3A_4 = arith.constant 0 : i32
    %dma_start3A_5 = arith.constant 0 : i32
    %dma_start3A_6 = tpu.memref_slice %arg3[%dma_start3A_4, %dma_start3A_5] : memref<2500x1024xf32, #tpu.memory_space<hbm>> -> memref<2500x1024xf32, #tpu.memory_space<hbm>>
    tpu.enqueue_indirect_dma source(%dma_start3A_6 : memref<2500x1024xf32, #tpu.memory_space<hbm>>) target(%arg6 : memref<32x1024xf32, #tpu.memory_space<vmem>>) offsets(%dma_start3A_3 : memref<32xi32, #tpu.memory_space<vmem>>) semaphore(%arg8 : memref<!tpu.dma_semaphore, #tpu.memory_space<semaphore_mem>>)
    %scan3A = arith.constant 0 : i32
    %scan3A_7 = arith.constant 0 : i32
    %scan3A_8 = arith.constant 49 : i32
    %scan3A_9 = arith.addi %scan3A_7, %scan3A_8 : i32
    %scan3A_10 = arith.constant 1 : i32
    scf.for %scan3A_12 = %scan3A_7 to %scan3A_9 step %scan3A_10  : i32 {
      %jit3A = arith.constant 2 : i32
      %eq3A = arith.constant 0 : i32
      %eq3A_13 = arith.cmpi eq, %jit3A, %eq3A : i32
      %jit3A_14 = arith.constant 1 : i32
      %select_n3A = arith.select %eq3A_13, %jit3A_14, %jit3A : i32
      %rem3A = arith.remsi %scan3A_12, %select_n3A : i32
      %ne3A = arith.constant 0 : i32
      %ne3A_15 = arith.cmpi ne, %rem3A, %ne3A : i32
      %lt3A = arith.constant 0 : i32
      %lt3A_16 = arith.cmpi slt, %rem3A, %lt3A : i32
      %lt3A_17 = arith.constant 0 : i32
      %lt3A_18 = arith.cmpi slt, %select_n3A, %lt3A_17 : i32
      %ne3A_19 = arith.xori %lt3A_16, %lt3A_18 : i1
      %and3A = arith.andi %ne3A_19, %ne3A_15 : i1
      %add3A_20 = arith.addi %rem3A, %select_n3A : i32
      %select_n3A_21 = arith.select %and3A, %add3A_20, %rem3A : i32
      %eq3A_22 = arith.constant 0 : i32
      %eq3A_23 = arith.cmpi eq, %select_n3A_21, %eq3A_22 : i32
      %convert_element_type3A = arith.extui %eq3A_23 : i1 to i32
      %cond3A = arith.constant 0 : i32
      %cond3A_24 = arith.cmpi ne, %convert_element_type3A, %cond3A : i32
      scf.if %cond3A_24 {
        %add3A_46 = arith.constant 1 : i32
        %add3A_47 = arith.addi %scan3A_12, %add3A_46 : i32
        %lt3A_48 = arith.constant 49 : i32
        %lt3A_49 = arith.cmpi slt, %add3A_47, %lt3A_48 : i32
        %convert_element_type3A_50 = arith.extui %lt3A_49 : i1 to i32
        %cond3A_51 = arith.constant 0 : i32
        %cond3A_52 = arith.cmpi ne, %convert_element_type3A_50, %cond3A_51 : i32
        scf.if %cond3A_52 {
          %add3A_61 = arith.constant 1 : i32
          %add3A_62 = arith.addi %scan3A_12, %add3A_61 : i32
          %mul3A_63 = arith.constant 32 : i32
          %mul3A_64 = arith.muli %add3A_62, %mul3A_63 : i32
          %dma_start3A_65 = tpu.memref_slice %arg5[%mul3A_64] : memref<1568xi32, #tpu.memory_space<vmem>> -> memref<32xi32, #tpu.memory_space<vmem>>
          %dma_start3A_66 = arith.constant 0 : i32
          %dma_start3A_67 = arith.constant 0 : i32
          %dma_start3A_68 = tpu.memref_slice %arg3[%dma_start3A_66, %dma_start3A_67] : memref<2500x1024xf32, #tpu.memory_space<hbm>> -> memref<2500x1024xf32, #tpu.memory_space<hbm>>
          tpu.enqueue_indirect_dma source(%dma_start3A_68 : memref<2500x1024xf32, #tpu.memory_space<hbm>>) target(%arg7 : memref<32x1024xf32, #tpu.memory_space<vmem>>) offsets(%dma_start3A_65 : memref<32xi32, #tpu.memory_space<vmem>>) semaphore(%arg9 : memref<!tpu.dma_semaphore, #tpu.memory_space<semaphore_mem>>)
        } else {
        }
        %dma_wait3A = arith.constant 0 : i32
        %dma_wait3A_53 = arith.constant 0 : i32
        %dma_wait3A_54 = tpu.memref_slice %arg3[%dma_wait3A, %dma_wait3A_53] : memref<2500x1024xf32, #tpu.memory_space<hbm>> -> memref<32x1024xf32, #tpu.memory_space<hbm>>
        %dma_wait3A_55 = arith.constant 0 : i32
        %dma_wait3A_56 = arith.constant 0 : i32
        %dma_wait3A_57 = tpu.memref_slice %arg3[%dma_wait3A_55, %dma_wait3A_56] : memref<2500x1024xf32, #tpu.memory_space<hbm>> -> memref<32x1024xf32, #tpu.memory_space<hbm>>
        tpu.wait_dma2 semaphore(%arg8 : memref<!tpu.dma_semaphore, #tpu.memory_space<semaphore_mem>>) src(%dma_wait3A_57 : memref<32x1024xf32, #tpu.memory_space<hbm>>) dst(%arg6 : memref<32x1024xf32, #tpu.memory_space<vmem>>)
        %mul3A_58 = arith.constant 32 : i32
        %mul3A_59 = arith.muli %scan3A_12, %mul3A_58 : i32
        %add3A_60 = arith.addi %mul3A_2, %mul3A_59 : i32
        "tpu.region"() ({
          %run_scoped3A = tpu.sem_alloc : memref<!tpu.dma_semaphore, #tpu.memory_space<semaphore_mem>>
          %dma_start3A_61 = arith.constant 0 : i32
          %dma_start3A_62 = tpu.memref_slice %arg4[%add3A_60, %dma_start3A_61] : memref<50176x1024xf32, #tpu.memory_space<hbm>> -> memref<32x1024xf32, #tpu.memory_space<hbm>>
          %dma_start3A_63 = arith.constant 0 : i32
          %dma_start3A_64 = tpu.memref_slice %arg4[%add3A_60, %dma_start3A_63] : memref<50176x1024xf32, #tpu.memory_space<hbm>> -> memref<32x1024xf32, #tpu.memory_space<hbm>>
          tpu.enqueue_dma source(%arg6 : memref<32x1024xf32, #tpu.memory_space<vmem>>) target(%dma_start3A_64 : memref<32x1024xf32, #tpu.memory_space<hbm>>) target_semaphore(%run_scoped3A : memref<!tpu.dma_semaphore, #tpu.memory_space<semaphore_mem>>)
          %dma_wait3A_65 = arith.constant 0 : i32
          %dma_wait3A_66 = tpu.memref_slice %arg4[%add3A_60, %dma_wait3A_65] : memref<50176x1024xf32, #tpu.memory_space<hbm>> -> memref<32x1024xf32, #tpu.memory_space<hbm>>
          %dma_wait3A_67 = arith.constant 0 : i32
          %dma_wait3A_68 = tpu.memref_slice %arg4[%add3A_60, %dma_wait3A_67] : memref<50176x1024xf32, #tpu.memory_space<hbm>> -> memref<32x1024xf32, #tpu.memory_space<hbm>>
          tpu.wait_dma2 semaphore(%run_scoped3A : memref<!tpu.dma_semaphore, #tpu.memory_space<semaphore_mem>>) src(%arg6 : memref<32x1024xf32, #tpu.memory_space<vmem>>) dst(%dma_wait3A_68 : memref<32x1024xf32, #tpu.memory_space<hbm>>)
          tpu.yield
        }) : () -> ()
      } else {
      }
      %jit3A_25 = arith.constant 2 : i32
      %eq3A_26 = arith.constant 0 : i32
      %eq3A_27 = arith.cmpi eq, %jit3A_25, %eq3A_26 : i32
      %jit3A_28 = arith.constant 1 : i32
      %select_n3A_29 = arith.select %eq3A_27, %jit3A_28, %jit3A_25 : i32
      %rem3A_30 = arith.remsi %scan3A_12, %select_n3A_29 : i32
      %ne3A_31 = arith.constant 0 : i32
      %ne3A_32 = arith.cmpi ne, %rem3A_30, %ne3A_31 : i32
      %lt3A_33 = arith.constant 0 : i32
      %lt3A_34 = arith.cmpi slt, %rem3A_30, %lt3A_33 : i32
      %lt3A_35 = arith.constant 0 : i32
      %lt3A_36 = arith.cmpi slt, %select_n3A_29, %lt3A_35 : i32
      %ne3A_37 = arith.xori %lt3A_34, %lt3A_36 : i1
      %and3A_38 = arith.andi %ne3A_37, %ne3A_32 : i1
      %add3A_39 = arith.addi %rem3A_30, %select_n3A_29 : i32
      %select_n3A_40 = arith.select %and3A_38, %add3A_39, %rem3A_30 : i32
      %eq3A_41 = arith.constant 1 : i32
      %eq3A_42 = arith.cmpi eq, %select_n3A_40, %eq3A_41 : i32
      %convert_element_type3A_43 = arith.extui %eq3A_42 : i1 to i32
      %cond3A_44 = arith.constant 0 : i32
      %cond3A_45 = arith.cmpi ne, %convert_element_type3A_43, %cond3A_44 : i32
      scf.if %cond3A_45 {
        %add3A_46 = arith.constant 1 : i32
        %add3A_47 = arith.addi %scan3A_12, %add3A_46 : i32
        %lt3A_48 = arith.constant 49 : i32
        %lt3A_49 = arith.cmpi slt, %add3A_47, %lt3A_48 : i32
        %convert_element_type3A_50 = arith.extui %lt3A_49 : i1 to i32
        %cond3A_51 = arith.constant 0 : i32
        %cond3A_52 = arith.cmpi ne, %convert_element_type3A_50, %cond3A_51 : i32
        scf.if %cond3A_52 {
          %add3A_61 = arith.constant 1 : i32
          %add3A_62 = arith.addi %scan3A_12, %add3A_61 : i32
          %mul3A_63 = arith.constant 32 : i32
          %mul3A_64 = arith.muli %add3A_62, %mul3A_63 : i32
          %dma_start3A_65 = tpu.memref_slice %arg5[%mul3A_64] : memref<1568xi32, #tpu.memory_space<vmem>> -> memref<32xi32, #tpu.memory_space<vmem>>
          %dma_start3A_66 = arith.constant 0 : i32
          %dma_start3A_67 = arith.constant 0 : i32
          %dma_start3A_68 = tpu.memref_slice %arg3[%dma_start3A_66, %dma_start3A_67] : memref<2500x1024xf32, #tpu.memory_space<hbm>> -> memref<2500x1024xf32, #tpu.memory_space<hbm>>
          tpu.enqueue_indirect_dma source(%dma_start3A_68 : memref<2500x1024xf32, #tpu.memory_space<hbm>>) target(%arg6 : memref<32x1024xf32, #tpu.memory_space<vmem>>) offsets(%dma_start3A_65 : memref<32xi32, #tpu.memory_space<vmem>>) semaphore(%arg8 : memref<!tpu.dma_semaphore, #tpu.memory_space<semaphore_mem>>)
        } else {
        }
        %dma_wait3A = arith.constant 0 : i32
        %dma_wait3A_53 = arith.constant 0 : i32
        %dma_wait3A_54 = tpu.memref_slice %arg3[%dma_wait3A, %dma_wait3A_53] : memref<2500x1024xf32, #tpu.memory_space<hbm>> -> memref<32x1024xf32, #tpu.memory_space<hbm>>
        %dma_wait3A_55 = arith.constant 0 : i32
        %dma_wait3A_56 = arith.constant 0 : i32
        %dma_wait3A_57 = tpu.memref_slice %arg3[%dma_wait3A_55, %dma_wait3A_56] : memref<2500x1024xf32, #tpu.memory_space<hbm>> -> memref<32x1024xf32, #tpu.memory_space<hbm>>
        tpu.wait_dma2 semaphore(%arg9 : memref<!tpu.dma_semaphore, #tpu.memory_space<semaphore_mem>>) src(%dma_wait3A_57 : memref<32x1024xf32, #tpu.memory_space<hbm>>) dst(%arg7 : memref<32x1024xf32, #tpu.memory_space<vmem>>)
        %mul3A_58 = arith.constant 32 : i32
        %mul3A_59 = arith.muli %scan3A_12, %mul3A_58 : i32
        %add3A_60 = arith.addi %mul3A_2, %mul3A_59 : i32
        "tpu.region"() ({
          %run_scoped3A = tpu.sem_alloc : memref<!tpu.dma_semaphore, #tpu.memory_space<semaphore_mem>>
          %dma_start3A_61 = arith.constant 0 : i32
          %dma_start3A_62 = tpu.memref_slice %arg4[%add3A_60, %dma_start3A_61] : memref<50176x1024xf32, #tpu.memory_space<hbm>> -> memref<32x1024xf32, #tpu.memory_space<hbm>>
          %dma_start3A_63 = arith.constant 0 : i32
          %dma_start3A_64 = tpu.memref_slice %arg4[%add3A_60, %dma_start3A_63] : memref<50176x1024xf32, #tpu.memory_space<hbm>> -> memref<32x1024xf32, #tpu.memory_space<hbm>>
          tpu.enqueue_dma source(%arg7 : memref<32x1024xf32, #tpu.memory_space<vmem>>) target(%dma_start3A_64 : memref<32x1024xf32, #tpu.memory_space<hbm>>) target_semaphore(%run_scoped3A : memref<!tpu.dma_semaphore, #tpu.memory_space<semaphore_mem>>)
          %dma_wait3A_65 = arith.constant 0 : i32
          %dma_wait3A_66 = tpu.memref_slice %arg4[%add3A_60, %dma_wait3A_65] : memref<50176x1024xf32, #tpu.memory_space<hbm>> -> memref<32x1024xf32, #tpu.memory_space<hbm>>
          %dma_wait3A_67 = arith.constant 0 : i32
          %dma_wait3A_68 = tpu.memref_slice %arg4[%add3A_60, %dma_wait3A_67] : memref<50176x1024xf32, #tpu.memory_space<hbm>> -> memref<32x1024xf32, #tpu.memory_space<hbm>>
          tpu.wait_dma2 semaphore(%run_scoped3A : memref<!tpu.dma_semaphore, #tpu.memory_space<semaphore_mem>>) src(%arg7 : memref<32x1024xf32, #tpu.memory_space<vmem>>) dst(%dma_wait3A_68 : memref<32x1024xf32, #tpu.memory_space<hbm>>)
          tpu.yield
        }) : () -> ()
      } else {
      }
    }
    %scan3A_11 = arith.constant 49 : i32
    return
  }
}

module attributes {stable_mosaic.version = 14 : i64} {
  func.func @_idx_kernel(%arg0: i32, %arg1: i32, %arg2: memref<128x4xf32, #tpu.memory_space<vmem>>, %arg3: memref<1x128x1xi32, #tpu.memory_space<vmem>>, %arg4: memref<1x128x1xf32, #tpu.memory_space<vmem>>, %arg5: memref<1x128x1xf32, #tpu.memory_space<vmem>>) attributes {dimension_semantics = [#tpu.dimension_semantics<arbitrary>, #tpu.dimension_semantics<arbitrary>], iteration_bounds = array<i64: 49, 8>, scalar_prefetch = 0 : i64, scratch_operands = 0 : i64, tpu.core_type = #tpu.core_type<tc>, window_params = [{transform_indices = @transform_0, window_bounds = array<i64: 128, 4>}, {transform_indices = @transform_1, window_bounds = array<i64: 1, 128, 1>}, {transform_indices = @transform_2, window_bounds = array<i64: 1, 128, 1>}, {transform_indices = @transform_3, window_bounds = array<i64: 1, 128, 1>}]} {
    %jit3A = arith.constant 7 : i32
    %div3A = arith.divsi %arg0, %jit3A : i32
    %sign3A = arith.constant 0 : i32
    %sign3A_0 = arith.cmpi sgt, %arg0, %sign3A : i32
    %sign3A_1 = arith.extui %sign3A_0 : i1 to i32
    %sign3A_2 = arith.constant 0 : i32
    %sign3A_3 = arith.cmpi slt, %arg0, %sign3A_2 : i32
    %sign3A_4 = arith.extui %sign3A_3 : i1 to i32
    %sign3A_5 = arith.subi %sign3A_1, %sign3A_4 : i32
    %sign3A_6 = arith.constant 0 : i32
    %sign3A_7 = arith.cmpi sgt, %jit3A, %sign3A_6 : i32
    %sign3A_8 = arith.extui %sign3A_7 : i1 to i32
    %sign3A_9 = arith.constant 0 : i32
    %sign3A_10 = arith.cmpi slt, %jit3A, %sign3A_9 : i32
    %sign3A_11 = arith.extui %sign3A_10 : i1 to i32
    %sign3A_12 = arith.subi %sign3A_8, %sign3A_11 : i32
    %ne3A = arith.cmpi ne, %sign3A_5, %sign3A_12 : i32
    %rem3A = arith.remsi %arg0, %jit3A : i32
    %ne3A_13 = arith.constant 0 : i32
    %ne3A_14 = arith.cmpi ne, %rem3A, %ne3A_13 : i32
    %and3A = arith.andi %ne3A, %ne3A_14 : i1
    %sub3A = arith.constant 1 : i32
    %sub3A_15 = arith.subi %div3A, %sub3A : i32
    %select_n3A = arith.select %and3A, %sub3A_15, %div3A : i32
    %mul3A = arith.constant 7 : i32
    %mul3A_16 = arith.muli %select_n3A, %mul3A : i32
    %sub3A_17 = arith.subi %arg0, %mul3A_16 : i32
    %convert_element_type3A = arith.sitofp %select_n3A : i32 to f32
    %add3A = arith.constant 5.000000e-01 : f32
    %add3A_18 = arith.addf %convert_element_type3A, %add3A : f32
    %div3A_19 = arith.constant 7.000000e+00 : f32
    %div3A_20 = arith.divf %add3A_18, %div3A_19 : f32
    %convert_element_type3A_21 = arith.sitofp %sub3A_17 : i32 to f32
    %add3A_22 = arith.constant 5.000000e-01 : f32
    %add3A_23 = arith.addf %convert_element_type3A_21, %add3A_22 : f32
    %div3A_24 = arith.constant 7.000000e+00 : f32
    %div3A_25 = arith.divf %add3A_23, %div3A_24 : f32
    %get3A = arith.constant 0 : index
    %get3A_26 = arith.constant 0 : index
    %get3A_27 = vector.load %arg2[%get3A, %get3A_26] : memref<128x4xf32, #tpu.memory_space<vmem>>, vector<128x4xf32>
    %mul3A_28 = arith.constant 6.250000e-02 : f32
    %mul3A_29 = vector.broadcast %mul3A_28 : f32 to vector<128x4xf32>
    %mul3A_30 = arith.mulf %get3A_27, %mul3A_29 : vector<128x4xf32>
    %slice3A = vector.extract_strided_slice %mul3A_30 {offsets = [0, 0], sizes = [128, 1], strides = [1, 1]} : vector<128x4xf32> to vector<128x1xf32>
    %slice3A_31 = vector.extract_strided_slice %mul3A_30 {offsets = [0, 1], sizes = [128, 1], strides = [1, 1]} : vector<128x4xf32> to vector<128x1xf32>
    %slice3A_32 = vector.extract_strided_slice %mul3A_30 {offsets = [0, 2], sizes = [128, 1], strides = [1, 1]} : vector<128x4xf32> to vector<128x1xf32>
    %slice3A_33 = vector.extract_strided_slice %mul3A_30 {offsets = [0, 3], sizes = [128, 1], strides = [1, 1]} : vector<128x4xf32> to vector<128x1xf32>
    %sub3A_34 = arith.subf %slice3A_32, %slice3A : vector<128x1xf32>
    %mul3A_35 = vector.broadcast %div3A_25 : f32 to vector<128x1xf32>
    %mul3A_36 = arith.mulf %mul3A_35, %sub3A_34 : vector<128x1xf32>
    %add3A_37 = arith.addf %slice3A, %mul3A_36 : vector<128x1xf32>
    %jit3A_38 = arith.constant 0.000000e+00 : f32
    %jit3A_39 = arith.constant 4.900000e+01 : f32
    %max3A = vector.broadcast %jit3A_38 : f32 to vector<128x1xf32>
    %max3A_40 = arith.maximumf %max3A, %add3A_37 : vector<128x1xf32>
    %min3A = vector.broadcast %jit3A_39 : f32 to vector<128x1xf32>
    %min3A_41 = arith.minimumf %min3A, %max3A_40 : vector<128x1xf32>
    %sub3A_42 = arith.subf %slice3A_33, %slice3A_31 : vector<128x1xf32>
    %mul3A_43 = vector.broadcast %div3A_20 : f32 to vector<128x1xf32>
    %mul3A_44 = arith.mulf %mul3A_43, %sub3A_42 : vector<128x1xf32>
    %add3A_45 = arith.addf %slice3A_31, %mul3A_44 : vector<128x1xf32>
    %jit3A_46 = arith.constant 0.000000e+00 : f32
    %jit3A_47 = arith.constant 4.900000e+01 : f32
    %max3A_48 = vector.broadcast %jit3A_46 : f32 to vector<128x1xf32>
    %max3A_49 = arith.maximumf %max3A_48, %add3A_45 : vector<128x1xf32>
    %min3A_50 = vector.broadcast %jit3A_47 : f32 to vector<128x1xf32>
    %min3A_51 = arith.minimumf %min3A_50, %max3A_49 : vector<128x1xf32>
    %floor3A = math.floor %min3A_41 : vector<128x1xf32>
    %jit3A_52 = arith.constant 0.000000e+00 : f32
    %jit3A_53 = arith.constant 4.800000e+01 : f32
    %max3A_54 = vector.broadcast %jit3A_52 : f32 to vector<128x1xf32>
    %max3A_55 = arith.maximumf %max3A_54, %floor3A : vector<128x1xf32>
    %min3A_56 = vector.broadcast %jit3A_53 : f32 to vector<128x1xf32>
    %min3A_57 = arith.minimumf %min3A_56, %max3A_55 : vector<128x1xf32>
    %floor3A_58 = math.floor %min3A_51 : vector<128x1xf32>
    %jit3A_59 = arith.constant 0.000000e+00 : f32
    %jit3A_60 = arith.constant 4.800000e+01 : f32
    %max3A_61 = vector.broadcast %jit3A_59 : f32 to vector<128x1xf32>
    %max3A_62 = arith.maximumf %max3A_61, %floor3A_58 : vector<128x1xf32>
    %min3A_63 = vector.broadcast %jit3A_60 : f32 to vector<128x1xf32>
    %min3A_64 = arith.minimumf %min3A_63, %max3A_62 : vector<128x1xf32>
    %convert_element_type3A_65 = arith.fptosi %min3A_57 : vector<128x1xf32> to vector<128x1xi32>
    %convert_element_type3A_66 = arith.fptosi %min3A_64 : vector<128x1xf32> to vector<128x1xi32>
    %mul3A_67 = arith.constant 50 : i32
    %mul3A_68 = vector.broadcast %mul3A_67 : i32 to vector<128x1xi32>
    %mul3A_69 = arith.muli %convert_element_type3A_66, %mul3A_68 : vector<128x1xi32>
    %add3A_70 = arith.addi %mul3A_69, %convert_element_type3A_65 : vector<128x1xi32>
    %swap3A = arith.constant 0 : index
    %swap3A_71 = arith.constant 0 : index
    %swap3A_72 = arith.constant 0 : index
    %swap3A_73 = vector.load %arg3[%swap3A, %swap3A_71, %swap3A_72] : memref<1x128x1xi32, #tpu.memory_space<vmem>>, vector<1x128x1xi32>
    %swap3A_74 = vector.shape_cast %swap3A_73 : vector<1x128x1xi32> to vector<128x1xi32>
    %swap3A_75 = vector.shape_cast %add3A_70 : vector<128x1xi32> to vector<1x128x1xi32>
    tpu.vector_store %arg3[%swap3A, %swap3A_71, %swap3A_72], %swap3A_75 {strides = array<i32>} : memref<1x128x1xi32, #tpu.memory_space<vmem>>, vector<1x128x1xi32>,
    %sub3A_76 = arith.subf %min3A_41, %min3A_57 : vector<128x1xf32>
    %swap3A_77 = arith.constant 0 : index
    %swap3A_78 = arith.constant 0 : index
    %swap3A_79 = arith.constant 0 : index
    %swap3A_80 = vector.load %arg4[%swap3A_77, %swap3A_78, %swap3A_79] : memref<1x128x1xf32, #tpu.memory_space<vmem>>, vector<1x128x1xf32>
    %swap3A_81 = vector.shape_cast %swap3A_80 : vector<1x128x1xf32> to vector<128x1xf32>
    %swap3A_82 = vector.shape_cast %sub3A_76 : vector<128x1xf32> to vector<1x128x1xf32>
    tpu.vector_store %arg4[%swap3A_77, %swap3A_78, %swap3A_79], %swap3A_82 {strides = array<i32>} : memref<1x128x1xf32, #tpu.memory_space<vmem>>, vector<1x128x1xf32>,
    %sub3A_83 = arith.subf %min3A_51, %min3A_64 : vector<128x1xf32>
    %swap3A_84 = arith.constant 0 : index
    %swap3A_85 = arith.constant 0 : index
    %swap3A_86 = arith.constant 0 : index
    %swap3A_87 = vector.load %arg5[%swap3A_84, %swap3A_85, %swap3A_86] : memref<1x128x1xf32, #tpu.memory_space<vmem>>, vector<1x128x1xf32>
    %swap3A_88 = vector.shape_cast %swap3A_87 : vector<1x128x1xf32> to vector<128x1xf32>
    %swap3A_89 = vector.shape_cast %sub3A_83 : vector<128x1xf32> to vector<1x128x1xf32>
    tpu.vector_store %arg5[%swap3A_84, %swap3A_85, %swap3A_86], %swap3A_89 {strides = array<i32>} : memref<1x128x1xf32, #tpu.memory_space<vmem>>, vector<1x128x1xf32>,
    return
  }
  func.func @transform_0(%arg0: i32, %arg1: i32) -> (i32, i32) {
    %c0_i32 = arith.constant 0 : i32
    %c0_i32_0 = arith.constant 0 : i32
    return %arg1, %c0_i32 : i32, i32
  }
  func.func @transform_1(%arg0: i32, %arg1: i32) -> (i32, i32, i32) {
    %mul3A = arith.constant 8 : i32
    %mul3A_0 = arith.muli %arg0, %mul3A : i32
    %add3A = arith.addi %mul3A_0, %arg1 : i32
    %c0_i32 = arith.constant 0 : i32
    %c0_i32_1 = arith.constant 0 : i32
    %c0_i32_2 = arith.constant 0 : i32
    return %add3A, %c0_i32, %c0_i32_1 : i32, i32, i32
  }
  func.func @transform_2(%arg0: i32, %arg1: i32) -> (i32, i32, i32) {
    %mul3A = arith.constant 8 : i32
    %mul3A_0 = arith.muli %arg0, %mul3A : i32
    %add3A = arith.addi %mul3A_0, %arg1 : i32
    %c0_i32 = arith.constant 0 : i32
    %c0_i32_1 = arith.constant 0 : i32
    %c0_i32_2 = arith.constant 0 : i32
    return %add3A, %c0_i32, %c0_i32_1 : i32, i32, i32
  }
  func.func @transform_3(%arg0: i32, %arg1: i32) -> (i32, i32, i32) {
    %mul3A = arith.constant 8 : i32
    %mul3A_0 = arith.muli %arg0, %mul3A : i32
    %add3A = arith.addi %mul3A_0, %arg1 : i32
    %c0_i32 = arith.constant 0 : i32
    %c0_i32_1 = arith.constant 0 : i32
    %c0_i32_2 = arith.constant 0 : i32
    return %add3A, %c0_i32, %c0_i32_1 : i32, i32, i32
  }
}

module attributes {stable_mosaic.version = 14 : i64} {
  func.func @_weight_kernel(%arg0: i32, %arg1: i32, %arg2: memref<128x1024xf32, #tpu.memory_space<vmem>>, %arg3: memref<1x128x1xf32, #tpu.memory_space<vmem>>, %arg4: memref<1x128x1xf32, #tpu.memory_space<vmem>>, %arg5: memref<1x128x256xf32, #tpu.memory_space<vmem>>) attributes {dimension_semantics = [#tpu.dimension_semantics<arbitrary>, #tpu.dimension_semantics<arbitrary>], iteration_bounds = array<i64: 49, 8>, scalar_prefetch = 0 : i64, scratch_operands = 0 : i64, tpu.core_type = #tpu.core_type<tc>, window_params = [{transform_indices = @transform_0, window_bounds = array<i64: 128, 1024>}, {transform_indices = @transform_1, window_bounds = array<i64: 1, 128, 1>}, {transform_indices = @transform_2, window_bounds = array<i64: 1, 128, 1>}, {transform_indices = @transform_3, window_bounds = array<i64: 1, 128, 256>}]} {
    %get3A = arith.constant 0 : index
    %get3A_0 = arith.constant 0 : index
    %get3A_1 = vector.load %arg2[%get3A, %get3A_0] : memref<128x1024xf32, #tpu.memory_space<vmem>>, vector<128x1024xf32>
    %slice3A = vector.extract_strided_slice %get3A_1 {offsets = [0, 0], sizes = [128, 256], strides = [1, 1]} : vector<128x1024xf32> to vector<128x256xf32>
    %slice3A_2 = vector.extract_strided_slice %get3A_1 {offsets = [0, 256], sizes = [128, 256], strides = [1, 1]} : vector<128x1024xf32> to vector<128x256xf32>
    %slice3A_3 = vector.extract_strided_slice %get3A_1 {offsets = [0, 512], sizes = [128, 256], strides = [1, 1]} : vector<128x1024xf32> to vector<128x256xf32>
    %slice3A_4 = vector.extract_strided_slice %get3A_1 {offsets = [0, 768], sizes = [128, 256], strides = [1, 1]} : vector<128x1024xf32> to vector<128x256xf32>
    %get3A_5 = arith.constant 0 : index
    %get3A_6 = arith.constant 0 : index
    %get3A_7 = arith.constant 0 : index
    %get3A_8 = vector.load %arg3[%get3A_5, %get3A_6, %get3A_7] : memref<1x128x1xf32, #tpu.memory_space<vmem>>, vector<1x128x1xf32>
    %get3A_9 = vector.shape_cast %get3A_8 : vector<1x128x1xf32> to vector<128x1xf32>
    %get3A_10 = arith.constant 0 : index
    %get3A_11 = arith.constant 0 : index
    %get3A_12 = arith.constant 0 : index
    %get3A_13 = vector.load %arg4[%get3A_10, %get3A_11, %get3A_12] : memref<1x128x1xf32, #tpu.memory_space<vmem>>, vector<1x128x1xf32>
    %get3A_14 = vector.shape_cast %get3A_13 : vector<1x128x1xf32> to vector<128x1xf32>
    %sub3A = arith.constant 1.000000e+00 : f32
    %sub3A_15 = vector.broadcast %sub3A : f32 to vector<128x1xf32>
    %sub3A_16 = arith.subf %sub3A_15, %get3A_14 : vector<128x1xf32>
    %mul3A = vector.broadcast %sub3A_16 : vector<128x1xf32> to vector<128x256xf32>
    %mul3A_17 = arith.mulf %slice3A, %mul3A : vector<128x256xf32>
    %sub3A_18 = arith.constant 1.000000e+00 : f32
    %sub3A_19 = vector.broadcast %sub3A_18 : f32 to vector<128x1xf32>
    %sub3A_20 = arith.subf %sub3A_19, %get3A_9 : vector<128x1xf32>
    %mul3A_21 = vector.broadcast %sub3A_20 : vector<128x1xf32> to vector<128x256xf32>
    %mul3A_22 = arith.mulf %mul3A_17, %mul3A_21 : vector<128x256xf32>
    %sub3A_23 = arith.constant 1.000000e+00 : f32
    %sub3A_24 = vector.broadcast %sub3A_23 : f32 to vector<128x1xf32>
    %sub3A_25 = arith.subf %sub3A_24, %get3A_14 : vector<128x1xf32>
    %mul3A_26 = vector.broadcast %sub3A_25 : vector<128x1xf32> to vector<128x256xf32>
    %mul3A_27 = arith.mulf %slice3A_2, %mul3A_26 : vector<128x256xf32>
    %mul3A_28 = vector.broadcast %get3A_9 : vector<128x1xf32> to vector<128x256xf32>
    %mul3A_29 = arith.mulf %mul3A_27, %mul3A_28 : vector<128x256xf32>
    %add3A = arith.addf %mul3A_22, %mul3A_29 : vector<128x256xf32>
    %mul3A_30 = vector.broadcast %get3A_14 : vector<128x1xf32> to vector<128x256xf32>
    %mul3A_31 = arith.mulf %slice3A_3, %mul3A_30 : vector<128x256xf32>
    %sub3A_32 = arith.constant 1.000000e+00 : f32
    %sub3A_33 = vector.broadcast %sub3A_32 : f32 to vector<128x1xf32>
    %sub3A_34 = arith.subf %sub3A_33, %get3A_9 : vector<128x1xf32>
    %mul3A_35 = vector.broadcast %sub3A_34 : vector<128x1xf32> to vector<128x256xf32>
    %mul3A_36 = arith.mulf %mul3A_31, %mul3A_35 : vector<128x256xf32>
    %add3A_37 = arith.addf %add3A, %mul3A_36 : vector<128x256xf32>
    %mul3A_38 = vector.broadcast %get3A_14 : vector<128x1xf32> to vector<128x256xf32>
    %mul3A_39 = arith.mulf %slice3A_4, %mul3A_38 : vector<128x256xf32>
    %mul3A_40 = vector.broadcast %get3A_9 : vector<128x1xf32> to vector<128x256xf32>
    %mul3A_41 = arith.mulf %mul3A_39, %mul3A_40 : vector<128x256xf32>
    %add3A_42 = arith.addf %add3A_37, %mul3A_41 : vector<128x256xf32>
    %swap3A = arith.constant 0 : index
    %swap3A_43 = arith.constant 0 : index
    %swap3A_44 = arith.constant 0 : index
    %swap3A_45 = vector.load %arg5[%swap3A, %swap3A_43, %swap3A_44] : memref<1x128x256xf32, #tpu.memory_space<vmem>>, vector<1x128x256xf32>
    %swap3A_46 = vector.shape_cast %swap3A_45 : vector<1x128x256xf32> to vector<128x256xf32>
    %swap3A_47 = vector.shape_cast %add3A_42 : vector<128x256xf32> to vector<1x128x256xf32>
    tpu.vector_store %arg5[%swap3A, %swap3A_43, %swap3A_44], %swap3A_47 {strides = array<i32>} : memref<1x128x256xf32, #tpu.memory_space<vmem>>, vector<1x128x256xf32>,
    return
  }
  func.func @transform_0(%arg0: i32, %arg1: i32) -> (i32, i32) {
    %mul3A = arith.constant 8 : i32
    %mul3A_0 = arith.muli %arg0, %mul3A : i32
    %add3A = arith.addi %mul3A_0, %arg1 : i32
    %c0_i32 = arith.constant 0 : i32
    %c0_i32_1 = arith.constant 0 : i32
    return %add3A, %c0_i32 : i32, i32
  }
  func.func @transform_1(%arg0: i32, %arg1: i32) -> (i32, i32, i32) {
    %mul3A = arith.constant 8 : i32
    %mul3A_0 = arith.muli %arg0, %mul3A : i32
    %add3A = arith.addi %mul3A_0, %arg1 : i32
    %c0_i32 = arith.constant 0 : i32
    %c0_i32_1 = arith.constant 0 : i32
    %c0_i32_2 = arith.constant 0 : i32
    return %add3A, %c0_i32, %c0_i32_1 : i32, i32, i32
  }
  func.func @transform_2(%arg0: i32, %arg1: i32) -> (i32, i32, i32) {
    %mul3A = arith.constant 8 : i32
    %mul3A_0 = arith.muli %arg0, %mul3A : i32
    %add3A = arith.addi %mul3A_0, %arg1 : i32
    %c0_i32 = arith.constant 0 : i32
    %c0_i32_1 = arith.constant 0 : i32
    %c0_i32_2 = arith.constant 0 : i32
    return %add3A, %c0_i32, %c0_i32_1 : i32, i32, i32
  }
  func.func @transform_3(%arg0: i32, %arg1: i32) -> (i32, i32, i32) {
    %c0_i32 = arith.constant 0 : i32
    %c0_i32_0 = arith.constant 0 : i32
    return %arg0, %arg1, %c0_i32 : i32, i32, i32
  }
}

module attributes {stable_mosaic.version = 14 : i64} {
  func.func @_fc_kernel(%arg0: i32, %arg1: memref<128x12544xf32, #tpu.memory_space<vmem>>, %arg2: memref<12544x1024xf32, #tpu.memory_space<vmem>>, %arg3: memref<1x1024xf32, #tpu.memory_space<vmem>>, %arg4: memref<1024x105xf32, #tpu.memory_space<vmem>>, %arg5: memref<1x105xf32, #tpu.memory_space<vmem>>, %arg6: memref<128x105xf32, #tpu.memory_space<vmem>>) attributes {dimension_semantics = [#tpu.dimension_semantics<arbitrary>], iteration_bounds = array<i64: 8>, scalar_prefetch = 0 : i64, scratch_operands = 0 : i64, tpu.core_type = #tpu.core_type<tc>, window_params = [{transform_indices = @transform_0, window_bounds = array<i64: 128, 12544>}, {pipeline_mode = #tpu.pipeline_mode<synchronous>, transform_indices = @transform_1, window_bounds = array<i64: 12544, 1024>}, {pipeline_mode = #tpu.pipeline_mode<synchronous>, transform_indices = @transform_2, window_bounds = array<i64: 1, 1024>}, {pipeline_mode = #tpu.pipeline_mode<synchronous>, transform_indices = @transform_3, window_bounds = array<i64: 1024, 105>}, {pipeline_mode = #tpu.pipeline_mode<synchronous>, transform_indices = @transform_4, window_bounds = array<i64: 1, 105>}, {transform_indices = @transform_5, window_bounds = array<i64: 128, 105>}]} {
    %get3A = arith.constant 0 : index
    %get3A_0 = arith.constant 0 : index
    %get3A_1 = vector.load %arg1[%get3A, %get3A_0] : memref<128x12544xf32, #tpu.memory_space<vmem>>, vector<128x12544xf32>
    %get3A_2 = arith.constant 0 : index
    %get3A_3 = arith.constant 0 : index
    %get3A_4 = vector.load %arg2[%get3A_2, %get3A_3] : memref<12544x1024xf32, #tpu.memory_space<vmem>>, vector<12544x1024xf32>
    %dot_general3A = arith.constant dense<0.000000e+00> : vector<128x1024xf32>
    %dot_general3A_5 = tpu.matmul %get3A_1, %get3A_4, %dot_general3A {dimension_numbers = #tpu.dot_dimension_numbers<[1], [0], [0], [1], [0, 0, 1, 1], [], []>, transpose_lhs_hint = false} : vector<128x12544xf32>, vector<12544x1024xf32>, vector<128x1024xf32> -> vector<128x1024xf32>
    %get3A_6 = arith.constant 0 : index
    %get3A_7 = arith.constant 0 : index
    %get3A_8 = vector.load %arg3[%get3A_6, %get3A_7] : memref<1x1024xf32, #tpu.memory_space<vmem>>, vector<1x1024xf32>
    %add3A = vector.broadcast %get3A_8 : vector<1x1024xf32> to vector<128x1024xf32>
    %add3A_9 = arith.addf %dot_general3A_5, %add3A : vector<128x1024xf32>
    %max3A = arith.constant 0.000000e+00 : f32
    %max3A_10 = vector.broadcast %max3A : f32 to vector<128x1024xf32>
    %max3A_11 = arith.maximumf %add3A_9, %max3A_10 : vector<128x1024xf32>
    %get3A_12 = arith.constant 0 : index
    %get3A_13 = arith.constant 0 : index
    %get3A_14 = vector.load %arg4[%get3A_12, %get3A_13] : memref<1024x105xf32, #tpu.memory_space<vmem>>, vector<1024x105xf32>
    %dot_general3A_15 = arith.constant dense<0.000000e+00> : vector<128x105xf32>
    %dot_general3A_16 = tpu.matmul %max3A_11, %get3A_14, %dot_general3A_15 {dimension_numbers = #tpu.dot_dimension_numbers<[1], [0], [0], [1], [0, 0, 1, 1], [], []>, transpose_lhs_hint = false} : vector<128x1024xf32>, vector<1024x105xf32>, vector<128x105xf32> -> vector<128x105xf32>
    %get3A_17 = arith.constant 0 : index
    %get3A_18 = arith.constant 0 : index
    %get3A_19 = vector.load %arg5[%get3A_17, %get3A_18] : memref<1x105xf32, #tpu.memory_space<vmem>>, vector<1x105xf32>
    %add3A_20 = vector.broadcast %get3A_19 : vector<1x105xf32> to vector<128x105xf32>
    %add3A_21 = arith.addf %dot_general3A_16, %add3A_20 : vector<128x105xf32>
    %swap3A = arith.constant 0 : index
    %swap3A_22 = arith.constant 0 : index
    %swap3A_23 = vector.load %arg6[%swap3A, %swap3A_22] : memref<128x105xf32, #tpu.memory_space<vmem>>, vector<128x105xf32>
    tpu.vector_store %arg6[%swap3A, %swap3A_22], %add3A_21 {strides = array<i32>} : memref<128x105xf32, #tpu.memory_space<vmem>>, vector<128x105xf32>,
    return
  }
  func.func @transform_0(%arg0: i32) -> (i32, i32) {
    %c0_i32 = arith.constant 0 : i32
    %c0_i32_0 = arith.constant 0 : i32
    return %arg0, %c0_i32 : i32, i32
  }
  func.func @transform_1(%arg0: i32) -> (i32, i32) {
    %c0_i32 = arith.constant 0 : i32
    %c0_i32_0 = arith.constant 0 : i32
    %c0_i32_1 = arith.constant 0 : i32
    return %c0_i32, %c0_i32_0 : i32, i32
  }
  func.func @transform_2(%arg0: i32) -> (i32, i32) {
    %c0_i32 = arith.constant 0 : i32
    %c0_i32_0 = arith.constant 0 : i32
    %c0_i32_1 = arith.constant 0 : i32
    return %c0_i32, %c0_i32_0 : i32, i32
  }
  func.func @transform_3(%arg0: i32) -> (i32, i32) {
    %c0_i32 = arith.constant 0 : i32
    %c0_i32_0 = arith.constant 0 : i32
    %c0_i32_1 = arith.constant 0 : i32
    return %c0_i32, %c0_i32_0 : i32, i32
  }
  func.func @transform_4(%arg0: i32) -> (i32, i32) {
    %c0_i32 = arith.constant 0 : i32
    %c0_i32_0 = arith.constant 0 : i32
    %c0_i32_1 = arith.constant 0 : i32
    return %c0_i32, %c0_i32_0 : i32, i32
  }
  func.func @transform_5(%arg0: i32) -> (i32, i32) {
    %c0_i32 = arith.constant 0 : i32
    %c0_i32_0 = arith.constant 0 : i32
    return %arg0, %c0_i32 : i32, i32
  }
}

module attributes {stable_mosaic.version = 14 : i64} {
  func.func @_nms_kernel(%arg0: memref<32x1024xf32, #tpu.memory_space<vmem>>, %arg1: memref<32x1024xf32, #tpu.memory_space<vmem>>, %arg2: memref<32x1024xf32, #tpu.memory_space<vmem>>, %arg3: memref<32x1024xf32, #tpu.memory_space<vmem>>, %arg4: memref<32x1024xf32, #tpu.memory_space<vmem>>, %arg5: memref<8x1024xf32, #tpu.memory_space<vmem>>, %arg6: memref<1x2xf32, #tpu.memory_space<vmem>>, %arg7: memref<32x50xf32, #tpu.memory_space<vmem>>, %arg8: memref<32x50xf32, #tpu.memory_space<vmem>>, %arg9: memref<32x50xf32, #tpu.memory_space<vmem>>, %arg10: memref<32x50xf32, #tpu.memory_space<vmem>>, %arg11: memref<32x50xf32, #tpu.memory_space<vmem>>, %arg12: memref<32x50xi32, #tpu.memory_space<vmem>>) attributes {dimension_semantics = [], scalar_prefetch = 0 : i64, scratch_operands = 0 : i64, tpu.core_type = #tpu.core_type<tc>} {
    %get3A = arith.constant 0 : index
    %get3A_0 = arith.constant 0 : index
    %get3A_1 = vector.load %arg6[%get3A, %get3A_0] : memref<1x2xf32, #tpu.memory_space<vmem>>, vector<1x1xf32>
    %sub3A = arith.constant 1.000000e+00 : f32
    %sub3A_2 = vector.broadcast %sub3A : f32 to vector<1x1xf32>
    %sub3A_3 = arith.subf %get3A_1, %sub3A_2 : vector<1x1xf32>
    %get3A_4 = arith.constant 0 : index
    %get3A_5 = arith.constant 1 : index
    %get3A_6 = vector.load %arg6[%get3A_4, %get3A_5] : memref<1x2xf32, #tpu.memory_space<vmem>>, vector<1x1xf32>
    %sub3A_7 = arith.constant 1.000000e+00 : f32
    %sub3A_8 = vector.broadcast %sub3A_7 : f32 to vector<1x1xf32>
    %sub3A_9 = arith.subf %get3A_6, %sub3A_8 : vector<1x1xf32>
    %get3A_10 = arith.constant 0 : index
    %get3A_11 = arith.constant 0 : index
    %get3A_12 = vector.load %arg0[%get3A_10, %get3A_11] : memref<32x1024xf32, #tpu.memory_space<vmem>>, vector<32x1024xf32>
    %reduce_max3A = arith.constant dense<0xFF800000> : vector<1024xf32>
    %reduce_max3A_13 = vector.multi_reduction <maximumf>, %get3A_12, %reduce_max3A [0] : vector<32x1024xf32> to vector<1024xf32>
    %broadcast_in_dim3A = vector.shape_cast %reduce_max3A_13 : vector<1024xf32> to vector<1x1024xf32>
    %sub3A_14 = vector.broadcast %broadcast_in_dim3A : vector<1x1024xf32> to vector<32x1024xf32>
    %sub3A_15 = arith.subf %get3A_12, %sub3A_14 : vector<32x1024xf32>
    %exp3A = math.exp %sub3A_15 : vector<32x1024xf32>
    %reduce_sum3A = arith.constant dense<0.000000e+00> : vector<1024xf32>
    %reduce_sum3A_16 = vector.multi_reduction <add>, %exp3A, %reduce_sum3A [0] : vector<32x1024xf32> to vector<1024xf32>
    %broadcast_in_dim3A_17 = vector.shape_cast %reduce_sum3A_16 : vector<1024xf32> to vector<1x1024xf32>
    %div3A = vector.broadcast %broadcast_in_dim3A_17 : vector<1x1024xf32> to vector<32x1024xf32>
    %div3A_18 = arith.divf %exp3A, %div3A : vector<32x1024xf32>
    %get3A_19 = arith.constant 0 : index
    %get3A_20 = arith.constant 0 : index
    %get3A_21 = vector.load %arg1[%get3A_19, %get3A_20] : memref<32x1024xf32, #tpu.memory_space<vmem>>, vector<32x1024xf32>
    %mul3A = arith.constant 1.000000e-01 : f32
    %mul3A_22 = vector.broadcast %mul3A : f32 to vector<32x1024xf32>
    %mul3A_23 = arith.mulf %get3A_21, %mul3A_22 : vector<32x1024xf32>
    %get3A_24 = arith.constant 0 : index
    %get3A_25 = arith.constant 0 : index
    %get3A_26 = vector.load %arg2[%get3A_24, %get3A_25] : memref<32x1024xf32, #tpu.memory_space<vmem>>, vector<32x1024xf32>
    %mul3A_27 = arith.constant 1.000000e-01 : f32
    %mul3A_28 = vector.broadcast %mul3A_27 : f32 to vector<32x1024xf32>
    %mul3A_29 = arith.mulf %get3A_26, %mul3A_28 : vector<32x1024xf32>
    %get3A_30 = arith.constant 0 : index
    %get3A_31 = arith.constant 0 : index
    %get3A_32 = vector.load %arg3[%get3A_30, %get3A_31] : memref<32x1024xf32, #tpu.memory_space<vmem>>, vector<32x1024xf32>
    %mul3A_33 = arith.constant 2.000000e-01 : f32
    %mul3A_34 = vector.broadcast %mul3A_33 : f32 to vector<32x1024xf32>
    %mul3A_35 = arith.mulf %get3A_32, %mul3A_34 : vector<32x1024xf32>
    %min3A = arith.constant 4.13516665 : f32
    %min3A_36 = vector.broadcast %min3A : f32 to vector<32x1024xf32>
    %min3A_37 = arith.minimumf %mul3A_35, %min3A_36 : vector<32x1024xf32>
    %get3A_38 = arith.constant 0 : index
    %get3A_39 = arith.constant 0 : index
    %get3A_40 = vector.load %arg4[%get3A_38, %get3A_39] : memref<32x1024xf32, #tpu.memory_space<vmem>>, vector<32x1024xf32>
    %mul3A_41 = arith.constant 2.000000e-01 : f32
    %mul3A_42 = vector.broadcast %mul3A_41 : f32 to vector<32x1024xf32>
    %mul3A_43 = arith.mulf %get3A_40, %mul3A_42 : vector<32x1024xf32>
    %min3A_44 = arith.constant 4.13516665 : f32
    %min3A_45 = vector.broadcast %min3A_44 : f32 to vector<32x1024xf32>
    %min3A_46 = arith.minimumf %mul3A_43, %min3A_45 : vector<32x1024xf32>
    %get3A_47 = arith.constant 0 : index
    %get3A_48 = arith.constant 0 : index
    %get3A_49 = vector.load %arg5[%get3A_47, %get3A_48] : memref<8x1024xf32, #tpu.memory_space<vmem>>, vector<1x1024xf32>
    %get3A_50 = arith.constant 1 : index
    %get3A_51 = arith.constant 0 : index
    %get3A_52 = vector.load %arg5[%get3A_50, %get3A_51] : memref<8x1024xf32, #tpu.memory_space<vmem>>, vector<1x1024xf32>
    %get3A_53 = arith.constant 2 : index
    %get3A_54 = arith.constant 0 : index
    %get3A_55 = vector.load %arg5[%get3A_53, %get3A_54] : memref<8x1024xf32, #tpu.memory_space<vmem>>, vector<1x1024xf32>
    %get3A_56 = arith.constant 3 : index
    %get3A_57 = arith.constant 0 : index
    %get3A_58 = vector.load %arg5[%get3A_56, %get3A_57] : memref<8x1024xf32, #tpu.memory_space<vmem>>, vector<1x1024xf32>
    %sub3A_59 = arith.subf %get3A_55, %get3A_49 : vector<1x1024xf32>
    %sub3A_60 = arith.subf %get3A_58, %get3A_52 : vector<1x1024xf32>
    %mul3A_61 = arith.constant 5.000000e-01 : f32
    %mul3A_62 = vector.broadcast %mul3A_61 : f32 to vector<1x1024xf32>
    %mul3A_63 = arith.mulf %mul3A_62, %sub3A_59 : vector<1x1024xf32>
    %add3A = arith.addf %get3A_49, %mul3A_63 : vector<1x1024xf32>
    %mul3A_64 = arith.constant 5.000000e-01 : f32
    %mul3A_65 = vector.broadcast %mul3A_64 : f32 to vector<1x1024xf32>
    %mul3A_66 = arith.mulf %mul3A_65, %sub3A_60 : vector<1x1024xf32>
    %add3A_67 = arith.addf %get3A_52, %mul3A_66 : vector<1x1024xf32>
    %mul3A_68 = vector.broadcast %sub3A_59 : vector<1x1024xf32> to vector<32x1024xf32>
    %mul3A_69 = arith.mulf %mul3A_23, %mul3A_68 : vector<32x1024xf32>
    %add3A_70 = vector.broadcast %add3A : vector<1x1024xf32> to vector<32x1024xf32>
    %add3A_71 = arith.addf %mul3A_69, %add3A_70 : vector<32x1024xf32>
    %mul3A_72 = vector.broadcast %sub3A_60 : vector<1x1024xf32> to vector<32x1024xf32>
    %mul3A_73 = arith.mulf %mul3A_29, %mul3A_72 : vector<32x1024xf32>
    %add3A_74 = vector.broadcast %add3A_67 : vector<1x1024xf32> to vector<32x1024xf32>
    %add3A_75 = arith.addf %mul3A_73, %add3A_74 : vector<32x1024xf32>
    %exp3A_76 = math.exp %min3A_37 : vector<32x1024xf32>
    %mul3A_77 = vector.broadcast %sub3A_59 : vector<1x1024xf32> to vector<32x1024xf32>
    %mul3A_78 = arith.mulf %exp3A_76, %mul3A_77 : vector<32x1024xf32>
    %exp3A_79 = math.exp %min3A_46 : vector<32x1024xf32>
    %mul3A_80 = vector.broadcast %sub3A_60 : vector<1x1024xf32> to vector<32x1024xf32>
    %mul3A_81 = arith.mulf %exp3A_79, %mul3A_80 : vector<32x1024xf32>
    %mul3A_82 = arith.constant 5.000000e-01 : f32
    %mul3A_83 = vector.broadcast %mul3A_82 : f32 to vector<32x1024xf32>
    %mul3A_84 = arith.mulf %mul3A_83, %mul3A_78 : vector<32x1024xf32>
    %sub3A_85 = arith.subf %add3A_71, %mul3A_84 : vector<32x1024xf32>
    %max3A = arith.constant 0.000000e+00 : f32
    %max3A_86 = vector.broadcast %max3A : f32 to vector<32x1024xf32>
    %max3A_87 = arith.maximumf %sub3A_85, %max3A_86 : vector<32x1024xf32>
    %min3A_88 = vector.broadcast %sub3A_9 : vector<1x1xf32> to vector<32x1024xf32>
    %min3A_89 = arith.minimumf %max3A_87, %min3A_88 : vector<32x1024xf32>
    %mul3A_90 = arith.constant 5.000000e-01 : f32
    %mul3A_91 = vector.broadcast %mul3A_90 : f32 to vector<32x1024xf32>
    %mul3A_92 = arith.mulf %mul3A_91, %mul3A_81 : vector<32x1024xf32>
    %sub3A_93 = arith.subf %add3A_75, %mul3A_92 : vector<32x1024xf32>
    %max3A_94 = arith.constant 0.000000e+00 : f32
    %max3A_95 = vector.broadcast %max3A_94 : f32 to vector<32x1024xf32>
    %max3A_96 = arith.maximumf %sub3A_93, %max3A_95 : vector<32x1024xf32>
    %min3A_97 = vector.broadcast %sub3A_3 : vector<1x1xf32> to vector<32x1024xf32>
    %min3A_98 = arith.minimumf %max3A_96, %min3A_97 : vector<32x1024xf32>
    %mul3A_99 = arith.constant 5.000000e-01 : f32
    %mul3A_100 = vector.broadcast %mul3A_99 : f32 to vector<32x1024xf32>
    %mul3A_101 = arith.mulf %mul3A_100, %mul3A_78 : vector<32x1024xf32>
    %add3A_102 = arith.addf %add3A_71, %mul3A_101 : vector<32x1024xf32>
    %max3A_103 = arith.constant 0.000000e+00 : f32
    %max3A_104 = vector.broadcast %max3A_103 : f32 to vector<32x1024xf32>
    %max3A_105 = arith.maximumf %add3A_102, %max3A_104 : vector<32x1024xf32>
    %min3A_106 = vector.broadcast %sub3A_9 : vector<1x1xf32> to vector<32x1024xf32>
    %min3A_107 = arith.minimumf %max3A_105, %min3A_106 : vector<32x1024xf32>
    %mul3A_108 = arith.constant 5.000000e-01 : f32
    %mul3A_109 = vector.broadcast %mul3A_108 : f32 to vector<32x1024xf32>
    %mul3A_110 = arith.mulf %mul3A_109, %mul3A_81 : vector<32x1024xf32>
    %add3A_111 = arith.addf %add3A_75, %mul3A_110 : vector<32x1024xf32>
    %max3A_112 = arith.constant 0.000000e+00 : f32
    %max3A_113 = vector.broadcast %max3A_112 : f32 to vector<32x1024xf32>
    %max3A_114 = arith.maximumf %add3A_111, %max3A_113 : vector<32x1024xf32>
    %min3A_115 = vector.broadcast %sub3A_3 : vector<1x1xf32> to vector<32x1024xf32>
    %min3A_116 = arith.minimumf %max3A_114, %min3A_115 : vector<32x1024xf32>
    %sub3A_117 = arith.subf %min3A_107, %min3A_89 : vector<32x1024xf32>
    %sub3A_118 = arith.subf %min3A_116, %min3A_98 : vector<32x1024xf32>
    %mul3A_119 = arith.mulf %sub3A_117, %sub3A_118 : vector<32x1024xf32>
    %iota3A = tpu.iota {dimensions = array<i32: 1>} : vector<32x1024xi32>
    %ge3A = arith.constant 1.000000e+00 : f32
    %ge3A_120 = vector.broadcast %ge3A : f32 to vector<32x1024xf32>
    %ge3A_121 = arith.cmpf oge, %sub3A_117, %ge3A_120 : vector<32x1024xf32>
    %ge3A_122 = arith.constant 1.000000e+00 : f32
    %ge3A_123 = vector.broadcast %ge3A_122 : f32 to vector<32x1024xf32>
    %ge3A_124 = arith.cmpf oge, %sub3A_118, %ge3A_123 : vector<32x1024xf32>
    %and3A = arith.andi %ge3A_121, %ge3A_124 : vector<32x1024xi1>
    %ge3A_125 = arith.constant 5.000000e-02 : f32
    %ge3A_126 = vector.broadcast %ge3A_125 : f32 to vector<32x1024xf32>
    %ge3A_127 = arith.cmpf oge, %div3A_18, %ge3A_126 : vector<32x1024xf32>
    %and3A_128 = arith.andi %and3A, %ge3A_127 : vector<32x1024xi1>
    %lt3A = arith.constant 1000 : i32
    %lt3A_129 = vector.broadcast %lt3A : i32 to vector<32x1024xi32>
    %lt3A_130 = arith.cmpi slt, %iota3A, %lt3A_129 : vector<32x1024xi32>
    %and3A_131 = arith.andi %and3A_128, %lt3A_130 : vector<32x1024xi1>
    %jit3A = arith.constant -1.000000e+09 : f32
    %broadcast_in_dim3A_132 = vector.broadcast %jit3A : f32 to vector<32x1024xf32>
    %select_n3A = arith.select %and3A_131, %div3A_18, %broadcast_in_dim3A_132 : vector<32x1024xi1>, vector<32x1024xf32>
    %iota3A_133 = tpu.iota {dimensions = array<i32: 1>} : vector<32x50xi32>
    %broadcast_in_dim3A_134 = arith.constant 0.000000e+00 : f32
    %broadcast_in_dim3A_135 = vector.broadcast %broadcast_in_dim3A_134 : f32 to vector<32x50xf32>
    %scan3A = arith.constant -1.000000e+09 : f32
    %scan3A_136 = arith.constant 0 : i32
    %scan3A_137 = arith.constant 50 : i32
    %scan3A_138 = arith.addi %scan3A_136, %scan3A_137 : i32
    %scan3A_139 = arith.constant 1 : i32
    %scan3A_140:6 = scf.for %scan3A_181 = %scan3A_136 to %scan3A_138 step %scan3A_139 iter_args(%scan3A_182 = %select_n3A, %scan3A_183 = %broadcast_in_dim3A_135, %scan3A_184 = %broadcast_in_dim3A_135, %scan3A_185 = %broadcast_in_dim3A_135, %scan3A_186 = %broadcast_in_dim3A_135, %scan3A_187 = %broadcast_in_dim3A_135) -> (vector<32x1024xf32>, vector<32x50xf32>, vector<32x50xf32>, vector<32x50xf32>, vector<32x50xf32>, vector<32x50xf32>)  : i32 {
      %reduce_max3A_188 = arith.constant dense<0xFF800000> : vector<32xf32>
      %reduce_max3A_189 = vector.multi_reduction <maximumf>, %scan3A_182, %reduce_max3A_188 [1] : vector<32x1024xf32> to vector<32xf32>
      %broadcast_in_dim3A_190 = vector.shape_cast %reduce_max3A_189 : vector<32xf32> to vector<32x1xf32>
      %eq3A = vector.broadcast %broadcast_in_dim3A_190 : vector<32x1xf32> to vector<32x1024xf32>
      %eq3A_191 = arith.cmpf oeq, %scan3A_182, %eq3A : vector<32x1024xf32>
      %jit3A_192 = arith.constant 1073741824 : i32
      %broadcast_in_dim3A_193 = vector.broadcast %jit3A_192 : i32 to vector<32x1024xi32>
      %select_n3A_194 = arith.select %eq3A_191, %iota3A, %broadcast_in_dim3A_193 : vector<32x1024xi1>, vector<32x1024xi32>
      %reduce_min3A = arith.constant dense<2147483647> : vector<32xi32>
      %reduce_min3A_195 = vector.multi_reduction <minsi>, %select_n3A_194, %reduce_min3A [1] : vector<32x1024xi32> to vector<32xi32>
      %broadcast_in_dim3A_196 = vector.shape_cast %reduce_min3A_195 : vector<32xi32> to vector<32x1xi32>
      %eq3A_197 = vector.broadcast %broadcast_in_dim3A_196 : vector<32x1xi32> to vector<32x1024xi32>
      %eq3A_198 = arith.cmpi eq, %iota3A, %eq3A_197 : vector<32x1024xi32>
      %jit3A_199 = arith.constant 0.000000e+00 : f32
      %broadcast_in_dim3A_200 = vector.broadcast %jit3A_199 : f32 to vector<32x1024xf32>
      %select_n3A_201 = arith.select %eq3A_198, %min3A_89, %broadcast_in_dim3A_200 : vector<32x1024xi1>, vector<32x1024xf32>
      %reduce_sum3A_202 = arith.constant dense<0.000000e+00> : vector<32xf32>
      %reduce_sum3A_203 = vector.multi_reduction <add>, %select_n3A_201, %reduce_sum3A_202 [1] : vector<32x1024xf32> to vector<32xf32>
      %broadcast_in_dim3A_204 = vector.shape_cast %reduce_sum3A_203 : vector<32xf32> to vector<32x1xf32>
      %jit3A_205 = arith.constant 0.000000e+00 : f32
      %broadcast_in_dim3A_206 = vector.broadcast %jit3A_205 : f32 to vector<32x1024xf32>
      %select_n3A_207 = arith.select %eq3A_198, %min3A_98, %broadcast_in_dim3A_206 : vector<32x1024xi1>, vector<32x1024xf32>
      %reduce_sum3A_208 = arith.constant dense<0.000000e+00> : vector<32xf32>
      %reduce_sum3A_209 = vector.multi_reduction <add>, %select_n3A_207, %reduce_sum3A_208 [1] : vector<32x1024xf32> to vector<32xf32>
      %broadcast_in_dim3A_210 = vector.shape_cast %reduce_sum3A_209 : vector<32xf32> to vector<32x1xf32>
      %jit3A_211 = arith.constant 0.000000e+00 : f32
      %broadcast_in_dim3A_212 = vector.broadcast %jit3A_211 : f32 to vector<32x1024xf32>
      %select_n3A_213 = arith.select %eq3A_198, %min3A_107, %broadcast_in_dim3A_212 : vector<32x1024xi1>, vector<32x1024xf32>
      %reduce_sum3A_214 = arith.constant dense<0.000000e+00> : vector<32xf32>
      %reduce_sum3A_215 = vector.multi_reduction <add>, %select_n3A_213, %reduce_sum3A_214 [1] : vector<32x1024xf32> to vector<32xf32>
      %broadcast_in_dim3A_216 = vector.shape_cast %reduce_sum3A_215 : vector<32xf32> to vector<32x1xf32>
      %jit3A_217 = arith.constant 0.000000e+00 : f32
      %broadcast_in_dim3A_218 = vector.broadcast %jit3A_217 : f32 to vector<32x1024xf32>
      %select_n3A_219 = arith.select %eq3A_198, %min3A_116, %broadcast_in_dim3A_218 : vector<32x1024xi1>, vector<32x1024xf32>
      %reduce_sum3A_220 = arith.constant dense<0.000000e+00> : vector<32xf32>
      %reduce_sum3A_221 = vector.multi_reduction <add>, %select_n3A_219, %reduce_sum3A_220 [1] : vector<32x1024xf32> to vector<32xf32>
      %broadcast_in_dim3A_222 = vector.shape_cast %reduce_sum3A_221 : vector<32xf32> to vector<32x1xf32>
      %max3A_223 = vector.broadcast %broadcast_in_dim3A_204 : vector<32x1xf32> to vector<32x1024xf32>
      %max3A_224 = arith.maximumf %max3A_223, %min3A_89 : vector<32x1024xf32>
      %max3A_225 = vector.broadcast %broadcast_in_dim3A_210 : vector<32x1xf32> to vector<32x1024xf32>
      %max3A_226 = arith.maximumf %max3A_225, %min3A_98 : vector<32x1024xf32>
      %min3A_227 = vector.broadcast %broadcast_in_dim3A_216 : vector<32x1xf32> to vector<32x1024xf32>
      %min3A_228 = arith.minimumf %min3A_227, %min3A_107 : vector<32x1024xf32>
      %min3A_229 = vector.broadcast %broadcast_in_dim3A_222 : vector<32x1xf32> to vector<32x1024xf32>
      %min3A_230 = arith.minimumf %min3A_229, %min3A_116 : vector<32x1024xf32>
      %sub3A_231 = arith.subf %min3A_228, %max3A_224 : vector<32x1024xf32>
      %max3A_232 = arith.constant 0.000000e+00 : f32
      %max3A_233 = vector.broadcast %max3A_232 : f32 to vector<32x1024xf32>
      %max3A_234 = arith.maximumf %sub3A_231, %max3A_233 : vector<32x1024xf32>
      %sub3A_235 = arith.subf %min3A_230, %max3A_226 : vector<32x1024xf32>
      %max3A_236 = arith.constant 0.000000e+00 : f32
      %max3A_237 = vector.broadcast %max3A_236 : f32 to vector<32x1024xf32>
      %max3A_238 = arith.maximumf %sub3A_235, %max3A_237 : vector<32x1024xf32>
      %mul3A_239 = arith.mulf %max3A_234, %max3A_238 : vector<32x1024xf32>
      %sub3A_240 = arith.subf %broadcast_in_dim3A_216, %broadcast_in_dim3A_204 : vector<32x1xf32>
      %sub3A_241 = arith.subf %broadcast_in_dim3A_222, %broadcast_in_dim3A_210 : vector<32x1xf32>
      %mul3A_242 = arith.mulf %sub3A_240, %sub3A_241 : vector<32x1xf32>
      %add3A_243 = vector.broadcast %mul3A_242 : vector<32x1xf32> to vector<32x1024xf32>
      %add3A_244 = arith.addf %add3A_243, %mul3A_119 : vector<32x1024xf32>
      %sub3A_245 = arith.subf %add3A_244, %mul3A_239 : vector<32x1024xf32>
      %add3A_246 = arith.constant 9.99999971E-10 : f32
      %add3A_247 = vector.broadcast %add3A_246 : f32 to vector<32x1024xf32>
      %add3A_248 = arith.addf %sub3A_245, %add3A_247 : vector<32x1024xf32>
      %div3A_249 = arith.divf %mul3A_239, %add3A_248 : vector<32x1024xf32>
      %gt3A = arith.constant 5.000000e-01 : f32
      %gt3A_250 = vector.broadcast %gt3A : f32 to vector<32x1024xf32>
      %gt3A_251 = arith.cmpf ogt, %div3A_249, %gt3A_250 : vector<32x1024xf32>
      %broadcast_in_dim3A_252 = vector.broadcast %scan3A : f32 to vector<32x1024xf32>
      %select_n3A_253 = arith.select %gt3A_251, %broadcast_in_dim3A_252, %scan3A_182 : vector<32x1024xi1>, vector<32x1024xf32>
      %broadcast_in_dim3A_254 = vector.broadcast %scan3A : f32 to vector<32x1024xf32>
      %select_n3A_255 = arith.select %eq3A_198, %broadcast_in_dim3A_254, %select_n3A_253 : vector<32x1024xi1>, vector<32x1024xf32>
      %eq3A_256 = vector.broadcast %scan3A_181 : i32 to vector<32x50xi32>
      %eq3A_257 = arith.cmpi eq, %iota3A_133, %eq3A_256 : vector<32x50xi32>
      %broadcast_in_dim3A_258 = vector.shape_cast %broadcast_in_dim3A_190 : vector<32x1xf32> to vector<32x1xf32>
      %broadcast_in_dim3A_259 = vector.broadcast %broadcast_in_dim3A_258 : vector<32x1xf32> to vector<32x50xf32>
      %select_n3A_260 = arith.select %eq3A_257, %broadcast_in_dim3A_259, %scan3A_183 : vector<32x50xi1>, vector<32x50xf32>
      %broadcast_in_dim3A_261 = vector.shape_cast %broadcast_in_dim3A_204 : vector<32x1xf32> to vector<32x1xf32>
      %broadcast_in_dim3A_262 = vector.broadcast %broadcast_in_dim3A_261 : vector<32x1xf32> to vector<32x50xf32>
      %select_n3A_263 = arith.select %eq3A_257, %broadcast_in_dim3A_262, %scan3A_184 : vector<32x50xi1>, vector<32x50xf32>
      %broadcast_in_dim3A_264 = vector.shape_cast %broadcast_in_dim3A_210 : vector<32x1xf32> to vector<32x1xf32>
      %broadcast_in_dim3A_265 = vector.broadcast %broadcast_in_dim3A_264 : vector<32x1xf32> to vector<32x50xf32>
      %select_n3A_266 = arith.select %eq3A_257, %broadcast_in_dim3A_265, %scan3A_185 : vector<32x50xi1>, vector<32x50xf32>
      %broadcast_in_dim3A_267 = vector.shape_cast %broadcast_in_dim3A_216 : vector<32x1xf32> to vector<32x1xf32>
      %broadcast_in_dim3A_268 = vector.broadcast %broadcast_in_dim3A_267 : vector<32x1xf32> to vector<32x50xf32>
      %select_n3A_269 = arith.select %eq3A_257, %broadcast_in_dim3A_268, %scan3A_186 : vector<32x50xi1>, vector<32x50xf32>
      %broadcast_in_dim3A_270 = vector.shape_cast %broadcast_in_dim3A_222 : vector<32x1xf32> to vector<32x1xf32>
      %broadcast_in_dim3A_271 = vector.broadcast %broadcast_in_dim3A_270 : vector<32x1xf32> to vector<32x50xf32>
      %select_n3A_272 = arith.select %eq3A_257, %broadcast_in_dim3A_271, %scan3A_187 : vector<32x50xi1>, vector<32x50xf32>
      scf.yield %select_n3A_255, %select_n3A_260, %select_n3A_263, %select_n3A_266, %select_n3A_269, %select_n3A_272 : vector<32x1024xf32>, vector<32x50xf32>, vector<32x50xf32>, vector<32x50xf32>, vector<32x50xf32>, vector<32x50xf32>
    }
    %scan3A_141 = arith.constant 50 : i32
    %ge3A_142 = arith.constant 5.000000e-02 : f32
    %ge3A_143 = vector.broadcast %ge3A_142 : f32 to vector<32x50xf32>
    %ge3A_144 = arith.cmpf oge, %scan3A_140#1, %ge3A_143 : vector<32x50xf32>
    %iota3A_145 = tpu.iota {dimensions = array<i32: 0>} : vector<32x50xi32>
    %jit3A_146 = arith.constant 0.000000e+00 : f32
    %broadcast_in_dim3A_147 = vector.broadcast %jit3A_146 : f32 to vector<32x50xf32>
    %select_n3A_148 = arith.select %ge3A_144, %scan3A_140#2, %broadcast_in_dim3A_147 : vector<32x50xi1>, vector<32x50xf32>
    %swap3A = arith.constant 0 : index
    %swap3A_149 = arith.constant 0 : index
    %swap3A_150 = vector.load %arg7[%swap3A, %swap3A_149] : memref<32x50xf32, #tpu.memory_space<vmem>>, vector<32x50xf32>
    tpu.vector_store %arg7[%swap3A, %swap3A_149], %select_n3A_148 {strides = array<i32>} : memref<32x50xf32, #tpu.memory_space<vmem>>, vector<32x50xf32>,
    %jit3A_151 = arith.constant 0.000000e+00 : f32
    %broadcast_in_dim3A_152 = vector.broadcast %jit3A_151 : f32 to vector<32x50xf32>
    %select_n3A_153 = arith.select %ge3A_144, %scan3A_140#3, %broadcast_in_dim3A_152 : vector<32x50xi1>, vector<32x50xf32>
    %swap3A_154 = arith.constant 0 : index
    %swap3A_155 = arith.constant 0 : index
    %swap3A_156 = vector.load %arg8[%swap3A_154, %swap3A_155] : memref<32x50xf32, #tpu.memory_space<vmem>>, vector<32x50xf32>
    tpu.vector_store %arg8[%swap3A_154, %swap3A_155], %select_n3A_153 {strides = array<i32>} : memref<32x50xf32, #tpu.memory_space<vmem>>, vector<32x50xf32>,
    %jit3A_157 = arith.constant 0.000000e+00 : f32
    %broadcast_in_dim3A_158 = vector.broadcast %jit3A_157 : f32 to vector<32x50xf32>
    %select_n3A_159 = arith.select %ge3A_144, %scan3A_140#4, %broadcast_in_dim3A_158 : vector<32x50xi1>, vector<32x50xf32>
    %swap3A_160 = arith.constant 0 : index
    %swap3A_161 = arith.constant 0 : index
    %swap3A_162 = vector.load %arg9[%swap3A_160, %swap3A_161] : memref<32x50xf32, #tpu.memory_space<vmem>>, vector<32x50xf32>
    tpu.vector_store %arg9[%swap3A_160, %swap3A_161], %select_n3A_159 {strides = array<i32>} : memref<32x50xf32, #tpu.memory_space<vmem>>, vector<32x50xf32>,
    %jit3A_163 = arith.constant 0.000000e+00 : f32
    %broadcast_in_dim3A_164 = vector.broadcast %jit3A_163 : f32 to vector<32x50xf32>
    %select_n3A_165 = arith.select %ge3A_144, %scan3A_140#5, %broadcast_in_dim3A_164 : vector<32x50xi1>, vector<32x50xf32>
    %swap3A_166 = arith.constant 0 : index
    %swap3A_167 = arith.constant 0 : index
    %swap3A_168 = vector.load %arg10[%swap3A_166, %swap3A_167] : memref<32x50xf32, #tpu.memory_space<vmem>>, vector<32x50xf32>
    tpu.vector_store %arg10[%swap3A_166, %swap3A_167], %select_n3A_165 {strides = array<i32>} : memref<32x50xf32, #tpu.memory_space<vmem>>, vector<32x50xf32>,
    %jit3A_169 = arith.constant 0.000000e+00 : f32
    %broadcast_in_dim3A_170 = vector.broadcast %jit3A_169 : f32 to vector<32x50xf32>
    %select_n3A_171 = arith.select %ge3A_144, %scan3A_140#1, %broadcast_in_dim3A_170 : vector<32x50xi1>, vector<32x50xf32>
    %swap3A_172 = arith.constant 0 : index
    %swap3A_173 = arith.constant 0 : index
    %swap3A_174 = vector.load %arg11[%swap3A_172, %swap3A_173] : memref<32x50xf32, #tpu.memory_space<vmem>>, vector<32x50xf32>
    tpu.vector_store %arg11[%swap3A_172, %swap3A_173], %select_n3A_171 {strides = array<i32>} : memref<32x50xf32, #tpu.memory_space<vmem>>, vector<32x50xf32>,
    %jit3A_175 = arith.constant 0 : i32
    %broadcast_in_dim3A_176 = vector.broadcast %jit3A_175 : i32 to vector<32x50xi32>
    %select_n3A_177 = arith.select %ge3A_144, %iota3A_145, %broadcast_in_dim3A_176 : vector<32x50xi1>, vector<32x50xi32>
    %swap3A_178 = arith.constant 0 : index
    %swap3A_179 = arith.constant 0 : index
    %swap3A_180 = vector.load %arg12[%swap3A_178, %swap3A_179] : memref<32x50xi32, #tpu.memory_space<vmem>>, vector<32x50xi32>
    tpu.vector_store %arg12[%swap3A_178, %swap3A_179], %select_n3A_177 {strides = array<i32>} : memref<32x50xi32, #tpu.memory_space<vmem>>, vector<32x50xi32>,
    return
  }
}

</mosaic_0001>

<sc_bundles>
// kernel: kernel.7.cloned.1.call-start
scs
__scs_entry_jumppad:
0x0: {  	(pc) =	sbr.rel $0x88, $3  }
0x1: {  	(tag) =	ssettag $0x0;
	lr =	simm.s32 $0x1  }
0x2: {  	[smem:$0x3F98] =	sst lr;
	_ =	strace $0xD0000000  }
0x3: {  	_ = 	snop  }
0x4: {  	_ = 	snop  }
0x5: {  	_ = 	snop  }
0x6: {  	_ = 	snop  }
0x7: {  	_ = 	snop  }
__scs_overlays_trampoline_lowered:
0x8: {  	[smem:$0x3FA7] =	sst s0  }
0x9: {  	[smem:$0x3FA8] =	sst s1  }
0xa: {  	[smem:$0x3FA9] =	sst s2  }
0xb: {  	[smem:$0x3FAA] =	sst s3  }
0xc: {  	[smem:$0x3FAB] =	sst s4  }
0xd: {  	[smem:$0x3FAC] =	sst s5  }
0xe: {  	[smem:$0x3FAD] =	sst s6  }
0xf: {  	[smem:$0x3FAE] =	sst s7  }
0x10: {  	[smem:$0x3FAF] =	sst s8  }
0x11: {  	[smem:$0x3FB0] =	sst s9;
	s0 =	simm.s32 @!p0 $0x0  }
0x12: {  	s1 =	sld [smem:$0x3F96];
	s0 =	simm.s32 @p0 $0x1  }
0x13: {  	[smem:$0x3FB1] =	sst s0;
	s0 =	simm.s32 @!p1 $0x0  }
0x14: {  	s2 =	sld [smem:$0x3F95];
	s0 =	simm.s32 @p1 $0x1  }
0x15: {  	[smem:$0x3FB2] =	sst s0;
	s0 =	simm.s32 @!p2 $0x0  }
0x16: {  	s3 =	sld [smem:$0x3FDB];
	s0 =	simm.s32 @p2 $0x1  }
0x17: {  	s4 =	simm.s32 $0x1BF5;
	[smem:$0x3FB4] =	sst s0  }
0x18: {  	s0 =	sld [smem:$0x3F97];
	_ =	swait.ge [sflag:s4], $0x0  }
0x19: {  	s7 =	sld [smem:$0x3F98]  }
0x1a: {  	s8 =	sadd.s32 $0xFFFFE003, lr  }
0x1b: {  	s9 =	sadd.s32 $0xFFFFFEF7, lr;
	s5 =	simm.s32 $0xFFFFFFFF;
	p2 =	slt.u32 s8, $0xFFFFF086  }
0x1c: {  	p1 =	slt.u32 s9, $0xF7A;
	s5 =	simm.s32 @!p2 $0x0  }
0x1d: {  	s5 =	simm.s32 @p1 $0x1;
	p0 =	seq.s32 s7, s2  }
0x1e: {  	s7 =	smul.u32 @!p0 $0xF7A, s2;
	p2 =	seq.s32 @!p0 s5, $0x0  }
0x1f: {  	s9 =	smul.u32 $0xF7A, s1;
	s8 =	simm.s32 @!p0 $0x1BF5;
	p2 =	por !p2, p0  }
0x20: {  	[sflag:s8] =	ssyncset.s32 @!p0 $0xFFFFF086;
	s6 =	sadd.s32 @!p0 s3, s7;
	s7 =	simm.s32 @!p0 $0x108  }
0x21: {  	s3 =	sadd.s32 s3, s9;
	s6 =	sadd.s32 @!p0 $0x88, s6;
	s7 =	simm.s32 @p2 $0x1082  }
0x22: {  	[simem:s7], [sflag:s8] =	dma.local @!p0 [hbm:s6], $0xF7A  }
0x23: {  	s9 =	sor.u32 $0xD0000000, s2;
	s6 =	simm.s32 $0x108;
	_ =	swait.ge @!p0 [sflag:s8], $0x0  }
0x24: {  	s3 =	sadd.s32 $0x88, s3;
	s6 =	simm.s32 @!p1 $0x1082;
	[sflag:s4] =	ssyncset.s32 $0xFFFFF086  }
0x25: {  	[simem:s6], [sflag:s4] =	dma.local [hbm:s3], $0xF7A  }
0x26: {  	[smem:$0x3F98] =	sst s1;
	(tag) =	ssettag s2;
	_ =	strace s9  }
0x27: {  	s1 =	sld [smem:$0x3FA8]  }
0x28: {  	s2 =	sld [smem:$0x3FA9]  }
0x29: {  	s4 =	sld [smem:$0x3FAB]  }
0x2a: {  	p0 =	seq.s32 s5, $0x0;
	s5 =	sld [smem:$0x3FAC]  }
0x2b: {  	s6 =	sld [smem:$0x3FAD]  }
0x2c: {  	s7 =	sld [smem:$0x3FAE]  }
0x2d: {  	s3 =	simm.s32 $0x108;
	s8 =	sld [smem:$0x3FAF]  }
0x2e: {  	s3 =	simm.s32 @!p0 $0x1082;
	s9 =	sld [smem:$0x3FB0]  }
0x2f: {  	lr =	sadd.s32 s0, s3;
	s0 =	sld [smem:$0x3FA7]  }
0x30: {  	s3 =	sld [smem:$0x3FAA]  }
0x31: {  	[smem:$0x3FB3] =	sst s10  }
0x32: {  	s10 =	sld [smem:$0x3FB1];
	_ =	sdelay $0x3  }
0x33: {  	p0 =	seq.s32 s10, $0x1;
	s10 =	sld [smem:$0x3FB3];
	_ =	sdelay $0x3  }
0x34: {  	[smem:$0x3FB3] =	sst s10  }
0x35: {  	s10 =	sld [smem:$0x3FB2];
	_ =	sdelay $0x3  }
0x36: {  	p1 =	seq.s32 s10, $0x1;
	s10 =	sld [smem:$0x3FB3];
	_ =	sdelay $0x3  }
0x37: {  	[smem:$0x3FB3] =	sst s10  }
0x38: {  	s10 =	sld [smem:$0x3FB4]  }
0x39: {  	_ = 	snop;
	(pc) =	sbr.ind lr, $3  }
0x3a: {  	_ = 	snop  }
0x3b: {  	_ = 	snop  }
0x3c: {  	p2 =	seq.s32 s10, $0x1;
	s10 =	sld [smem:$0x3FB3]  }
0x3d: {  	_ =	shalt  }
0x3e: {  	_ =	shalt  }
0x3f: {  	_ =	shalt  }
0x40: {  	_ =	shalt  }
0x41: {  	_ =	shalt  }
0x42: {  	_ =	shalt  }
0x43: {  	_ =	shalt  }
0x44: {  	_ =	shalt  }
0x45: {  	_ =	shalt  }
0x46: {  	_ =	shalt  }
0x47: {  	_ =	shalt  }
0x48: {  	_ =	shalt  }
0x49: {  	_ =	shalt  }
0x4a: {  	_ =	shalt  }
0x4b: {  	_ =	shalt  }
0x4c: {  	_ =	shalt  }
0x4d: {  	_ =	shalt  }
0x4e: {  	_ =	shalt  }
0x4f: {  	_ =	shalt  }
0x50: {  	_ =	shalt  }
0x51: {  	_ =	shalt  }
0x52: {  	_ =	shalt  }
0x53: {  	_ =	shalt  }
0x54: {  	_ =	shalt  }
0x55: {  	_ =	shalt  }
0x56: {  	_ =	shalt  }
0x57: {  	_ =	shalt  }
0x58: {  	_ =	shalt  }
0x59: {  	_ =	shalt  }
0x5a: {  	_ =	shalt  }
0x5b: {  	_ =	shalt  }
0x5c: {  	_ =	shalt  }
0x5d: {  	_ =	shalt  }
0x5e: {  	_ =	shalt  }
0x5f: {  	_ =	shalt  }
0x60: {  	_ =	shalt  }
0x61: {  	_ =	shalt  }
0x62: {  	_ =	shalt  }
0x63: {  	_ =	shalt  }
0x64: {  	_ =	shalt  }
0x65: {  	_ =	shalt  }
0x66: {  	_ =	shalt  }
0x67: {  	_ =	shalt  }
0x68: {  	_ =	shalt  }
0x69: {  	_ =	shalt  }
0x6a: {  	_ =	shalt  }
0x6b: {  	_ =	shalt  }
0x6c: {  	_ =	shalt  }
0x6d: {  	_ =	shalt  }
0x6e: {  	_ =	shalt  }
0x6f: {  	_ =	shalt  }
0x70: {  	_ =	shalt  }
0x71: {  	_ =	shalt  }
0x72: {  	_ =	shalt  }
0x73: {  	_ =	shalt  }
0x74: {  	_ =	shalt  }
0x75: {  	_ =	shalt  }
0x76: {  	_ =	shalt  }
0x77: {  	_ =	shalt  }
0x78: {  	_ =	shalt  }
0x79: {  	_ =	shalt  }
0x7a: {  	_ =	shalt  }
0x7b: {  	_ =	shalt  }
0x7c: {  	_ =	shalt  }
0x7d: {  	_ =	shalt  }
0x7e: {  	_ =	shalt  }
0x7f: {  	_ =	shalt  }
0x80: {  	_ =	shalt  }
0x81: {  	_ =	shalt  }
0x82: {  	_ =	shalt  }
0x83: {  	_ =	shalt  }
0x84: {  	_ =	shalt  }
0x85: {  	_ =	shalt  }
0x86: {  	_ =	shalt  }
0x87: {  	_ =	shalt  }
.Lfunc_end0:
.L_simem_size_0:
called_computation.1_lowered:
.L_overlay_start_0:
0x88: {  	s2 =	sld [smem:$0x3FD9]  }
0x89: {  	s3 =	sld [smem:$0x3FFE];
	_ =	sdelay $0x1  }
0x8a: {  	s1 =	srdreg.scid  }
0x8b: {  	s0 =	sand.u32 $0x1, s1  }
0x8c: {  	s16 =	sshll.u32 s0, $0xA;
	s2 =	sadd.s32 s3, s2  }
0x8d: {  	s2 =	sadd.s32 s2, s16  }
0x8e: {  	[smem:$0x3FBF] =	sst s2  }
0x8f: {  	_ = 	snop  }
0x90: {  	(tm) =	ssettm $0x1  }
0x91: {  	s17 =	sld [smem:$0x3FFB];
	_ =	sdelay $0x3  }
0x92: {  	_ =	strace s17  }
0x93: {  	s2 =	sld [smem:$0x3FFC];
	_ =	sdelay $0x3  }
0x94: {  	_ =	strace s2  }
0x95: {  	s2 =	sld [smem:$0x3FFD];
	_ =	sdelay $0x3  }
0x96: {  	_ =	strace s2  }
0x97: {  	_ =	strace $0x8FFFFFFF  }
0x98: {  	s18 =	sld [smem:$0x3FDB];
	_ =	sdelay $0x1  }
0x99: {  	s19 =	simm.s32 $_scs_section_size  }
0x9a: {  	s4 =	simm.s32 $_size__tile_overlayer_lowered;
	s5 =	simm.s32 $_tile_overlayer_lowered  }
0x9b: {  	s22 =	simm.s32 $0x1BFF;
	s21 =	sshll.u32 s5, $0x1;
	s2 =	sadd.s32 s19, s18  }
0x9c: {  	s6 =	simm.s32 $0x0;
	s20 =	sshll.u32 s4, $0x1;
	s4 =	sadd.s32 s21, s2  }
0x9d: {  	[timem:s6], [sflag:s22] =	dma.local [hbm:s4], s20  }
0x9e: {  	_ =	swait.ge [sflag:s22], s20  }
0x9f: {  	s3 =	ssub.s32 $0x0, s20;
	[sflag:s22] =	ssyncset.done $0x0  }
0xa0: {  	[sflag:s22] =	ssyncadd.s32 s3;
	_ =	sdelay $0x1  }
0xa1: {  	s23 =	simm.s32 $0x1B8B  }
0xa2: {  	_ =	swait.ge [sflag:s23], $0x1  }
0xa3: {  	[sflag:s23] =	ssyncset.done $0x0  }
0xa4: {  	s25 =	simm.s32 $0x1B8E;
	s24 =	sld [smem:$0x3FFE];
	[sflag:s23] =	ssyncadd.s32 $0xFFFFFFFF  }
0xa5: {  	s26 =	simm.s32 $execute0_lowered;
	[smem:$0x3FD2] =	sst s25  }
0xa6: {  	s4 =	sshll.u32 s26, $0x1;
	_ =	strace $0x80000046;
	[dreg:$0x1] =	wrdreg $0xFFFFFFFF  }
0xa7: {  	s28 =	simm.s32 $_size_execute0_lowered;
	s2 =	sadd.s32 s2, s4;
	[dreg:$0x0] =	wrdreg $0x0  }
0xa8: {  	s4 =	sshll.u32 s28, $0x1;
	[dreg:$0x2] =	wrdreg s2  }
0xa9: {  	[dreg:$0x3] =	wrdreg s4  }
0xaa: {  	[dreg:$0x4] =	wrdreg $0xC0  }
0xab: {  	_ =	task [dreg:s6], $0x5FFFF  }
0xac: {  	[dreg:$0x1] =	wrdreg $0xFFFFFFFF  }
0xad: {  	[dreg:$0x0] =	wrdreg $0x60  }
0xae: {  	[dreg:$0x2] =	wrdreg s24  }
0xaf: {  	[dreg:$0x3] =	wrdreg $0x9  }
0xb0: {  	_ =	task.clear_ibuf [dreg:s6], $0x4FFFF;
	_ =	strace $0x90000046  }
0xb1: {  	s29 =	simm.s32 $0x9;
	_ =	strace $0x80000048  }
0xb2: {  	_ =	swait.ge [sflag:s29], $0x1  }
0xb3: {  	[sflag:s29] =	ssyncadd.s32 $0xFFFFFFFF  }
0xb4: {  	_ =	strace $0x90000048  }
0xb5: {  	_ =	sfence  }
0xb6: {  	s30 =	sld [smem:$0x0];
	_ =	sdelay $0x2  }
0xb7: {  	s31 =	sshll.u32 s1, $0xD;
	s1 =	sshrl.u32 s1, $0x2  }
0xb8: {  	s3 =	sand.u32 $0x4000, s31;
	s1 =	sadd.s32 s1, s30  }
0xb9: {  	s0 =	sor.u32 s3, s0;
	s1 =	sshll.u32 s1, $0x11  }
0xba: {  	s0 =	sor.u32 s1, s0  }
0xbb: {  	s0 =	sadd.s32 $0x8F2B, s0  }
0xbc: {  	[sflag:s0] =	ssyncadd.remote.s32 $0x1  }
0xbd: {  	_ =	sfence.sel $0xFFFF  }
0xbe: {  	[dreg:$0x0] =	wrdreg $0xFFFFFFFF;
	(pc) =	sbr.abs _section_cstart, $3  }
0xbf: {  	[dreg:$0x1] =	wrdreg $0xFFFFFFFF  }
0xc0: {  	_ =	task.clear_ibuf [dreg:s6], $0x2FFFF;
	_ =	strace $0x9FFFFFFF  }
0xc1: {  	(tm) =	ssettm $0x7FFFFFFF  }
tec
execute0_lowered:
.L_overlay_start_1:
0x0: {  	(tag) =	ssettag $0x1  }
0x1: {  	s0 =	rddreg [dreg:$0x0]  }
0x2: {  	s1 =	srdreg.scid;
	s2 =	stileid.u32  }
0x3: {  	s10 =	simm.s32 $0x3;
	s11 =	simm.s32 $0x680;
	s12 =	simm.s32 $0xE80  }
0x4: {  	s13 =	simm.s32 $0x1680;
	s14 =	simm.s32 $0x1E80;
	s15 =	simm.s32 $0x2680  }
0x5: {  	s16 =	simm.s32 $0x2E80;
	s17 =	simm.s32 $0x3680;
	s18 =	simm.s32 $0x3E80  }
0x6: {  	s19 =	simm.s32 $0x4680;
	s20 =	simm.s32 $0x4E80;
	s21 =	simm.s32 $0x5680  }
0x7: {  	s22 =	simm.s32 $0x5E80;
	s23 =	simm.s32 $0x6680;
	s28 =	simm.s32 $0x1  }
0x8: {  	s29 =	simm.s32 $0x2;
	s30 =	simm.s32 $0x8680;
	s31 =	simm.s32 $0x0  }
0x9: {  	s1 =	sand.u32 $0x1, s1;
	s3 =	sshll.u32 s2, $0x1;
	s4 =	smul.u32 $0x310000, s2  }
0xa: {  	s2 =	simm.s32 $0x0;
	s7 =	sadd.s32 $0x1F00, s0;
	s3 =	sor.u32 s1, s3  }
0xb: {  	s5 =	smul.u32 $0x188000, s1;
	[smem:$0x7FF] =	sst s2;
	s1 =	ssub.s32 $0x2, s1  }
0xc: {  	s3 =	smul.u32 $0xC4, s3;
	_ =	strace $0x80000047;
	s6 =	sshrl.u32 s1, $0x1  }
0xd: {  	s4 =	sadd.s32 s5, s4;
	s1 =	ssub.s32 s1, s6;
	s6 =	sadd.s32 $0x1E00, s0  }
.Ltmp0:
0xe: {  	s24 =	sadd.s32 s3, s0;
	s4 =	sshrl.u32 s4, $0x3;
	(pc) =	sbr.rel .LBB2_1-.Ltmp0, $4  }
0xf: {  	s3 =	sadd.s32 $0x1C00, s0;
	s25 =	smax.u32 s1, $0x1;
	s4 =	sadd.s32 s4, s0  }
0x10: {  	v2 =	vlaneseq.u32;
	s5 =	sadd.s32 $0x24DC00, s24;
	[dreg:$0x3] =	wrdreg s25;
	s24 =	simm.s32 $0x6E80  }
0x11: {  	vm0 =	vmmov $0xffff;
	v1 =	vshrl.u32 v2, $0x3;
	s25 =	simm.s32 $0x7680;
	[dreg:$0x2] =	wrdreg s5;
	s26 =	sadd.s32 $0x24F600, s4  }
0x12: {  	v0 =	vand.u32 $0x7, v2;
	v2 =	vor.u32 $0x8, v2;
	v1 =	vmul.u32 $0x8, v1;
	s5 =	sadd.s32 $0x1D00, s0;
	[dreg:$0x4] =	wrdreg s26;
	s26 =	simm.s32 $0x7E80  }
.LBB2_6:
0x13: {  	s31 =	sadd.s32 $0x1, s31;
	s0 =	rddreg [dreg:$0x3]  }
0x14: {  	p0 =	sne.s32 s31, s0  }
.Ltmp1:
0x15: {  	_ = 	snop;
	(pc) =	sbr.rel @!p0 .LBB2_7-.Ltmp1, $1  }
0x16: {  	_ =	sdelay $0x3  }
.LBB2_1:
0x17: {  	s0 =	rddreg [dreg:$0x2]  }
0x18: {  	[tilespmem:s2], [sflag:$0x3] =	stream.linear.gather [hbm4b:s0+s2], $0x620, $0x38;
	[tilespmem:$0x10680] =	vst v63  }
0x19: {  	_ =	swait.ge [sflag:s10], $0x620  }
0x1a: {  	[sflag:s10] =	ssyncset.done $0x0  }
0x1b: {  	[sflag:s10] =	ssyncadd.s32 $0xFFFFF9E0  }
0x1c: {  	v3 =	vld [tilespmem:$0x0];
	_ =	sdelay $0x4  }
0x1d: {  	v4 =	vshll.u32 v3, $0x3  }
0x1e: {  	v3 =	vand.u32 $0x7, v3;
	v4 =	vand.u32 $0xFFFFFFC0, v4  }
0x1f: {  	v3 =	vor.u32 v3, v4  }
0x20: {  	v4 =	vperm.xlane v3, v0;
	_ =	sdelay $0x1  }
0x21: {  	v4 =	vadd.s32 v1, v4;
	_ =	sdelay $0x4  }
0x22: {  	[tilespmem:s11], [sflag:$0x1] =	stream.indirect_vreg.gather [hbm4b:s3+s2], $0x80, v4, vm0, $0xb8;
	[tilespmem:$0x10680] =	vst v63  }
0x23: {  	v3 =	vperm.xlane v3, v2  }
0x24: {  	[tilespmem:s12], [sflag:$0x1] =	stream.indirect_vreg.gather [hbm4b:s5+s2], $0x80, v4, vm0, $0xb8;
	[tilespmem:$0x10680] =	vst v63  }
0x25: {  	v3 =	vadd.s32 v1, v3  }
0x26: {  	[tilespmem:s13], [sflag:$0x1] =	stream.indirect_vreg.gather [hbm4b:s6+s2], $0x80, v4, vm0, $0xb8;
	[tilespmem:$0x10680] =	vst v63  }
0x27: {  	_ = 	snop  }
0x28: {  	[tilespmem:s14], [sflag:$0x1] =	stream.indirect_vreg.gather [hbm4b:s7+s2], $0x80, v4, vm0, $0xb8;
	[tilespmem:$0x10680] =	vst v63  }
0x29: {  	_ = 	snop  }
0x2a: {  	[tilespmem:s15], [sflag:$0x1] =	stream.indirect_vreg.gather [hbm4b:s3+s2], $0x80, v3, vm0, $0xb8;
	[tilespmem:$0x10680] =	vst v63  }
0x2b: {  	_ = 	snop  }
0x2c: {  	[tilespmem:s16], [sflag:$0x1] =	stream.indirect_vreg.gather [hbm4b:s5+s2], $0x80, v3, vm0, $0xb8;
	[tilespmem:$0x10680] =	vst v63  }
0x2d: {  	_ = 	snop  }
0x2e: {  	[tilespmem:s17], [sflag:$0x1] =	stream.indirect_vreg.gather [hbm4b:s6+s2], $0x80, v3, vm0, $0xb8;
	[tilespmem:$0x10680] =	vst v63  }
0x2f: {  	_ = 	snop  }
0x30: {  	[tilespmem:s18], [sflag:$0x1] =	stream.indirect_vreg.gather [hbm4b:s7+s2], $0x80, v3, vm0, $0xb8;
	[tilespmem:$0x10680] =	vst v63  }
0x31: {  	v3 =	vld [tilespmem:$0x10];
	_ =	sdelay $0x4  }
0x32: {  	v63 =	vshll.u32 v3, $0x3  }
0x33: {  	v3 =	vand.u32 $0x7, v3;
	v4 =	vand.u32 $0xFFFFFFC0, v63  }
0x34: {  	v3 =	vor.u32 v3, v4  }
0x35: {  	v4 =	vperm.xlane v3, v0;
	_ =	sdelay $0x1  }
0x36: {  	v4 =	vadd.s32 v1, v4;
	_ =	sdelay $0x4  }
0x37: {  	[tilespmem:s19], [sflag:$0x1] =	stream.indirect_vreg.gather [hbm4b:s3+s2], $0x80, v4, vm0, $0xb8;
	[tilespmem:$0x10680] =	vst v63  }
0x38: {  	v3 =	vperm.xlane v3, v2  }
0x39: {  	[tilespmem:s20], [sflag:$0x1] =	stream.indirect_vreg.gather [hbm4b:s5+s2], $0x80, v4, vm0, $0xb8;
	[tilespmem:$0x10680] =	vst v63  }
0x3a: {  	v3 =	vadd.s32 v1, v3  }
0x3b: {  	[tilespmem:s21], [sflag:$0x1] =	stream.indirect_vreg.gather [hbm4b:s6+s2], $0x80, v4, vm0, $0xb8;
	[tilespmem:$0x10680] =	vst v63  }
0x3c: {  	_ = 	snop  }
0x3d: {  	[tilespmem:s22], [sflag:$0x1] =	stream.indirect_vreg.gather [hbm4b:s7+s2], $0x80, v4, vm0, $0xb8;
	[tilespmem:$0x10680] =	vst v63  }
0x3e: {  	_ = 	snop  }
0x3f: {  	[tilespmem:s23], [sflag:$0x1] =	stream.indirect_vreg.gather [hbm4b:s3+s2], $0x80, v3, vm0, $0xb8;
	[tilespmem:$0x10680] =	vst v63  }
0x40: {  	_ = 	snop  }
0x41: {  	[tilespmem:s24], [sflag:$0x1] =	stream.indirect_vreg.gather [hbm4b:s5+s2], $0x80, v3, vm0, $0xb8;
	[tilespmem:$0x10680] =	vst v63  }
.Ltmp2:
0x42: {  	_ = 	snop;
	(pc) =	sbr.rel .LBB2_2-.Ltmp2, $4  }
0x43: {  	_ = 	snop  }
0x44: {  	[tilespmem:s25], [sflag:$0x1] =	stream.indirect_vreg.gather [hbm4b:s6+s2], $0x80, v3, vm0, $0xb8;
	[tilespmem:$0x10680] =	vst v63  }
0x45: {  	s1 =	simm.s32 $0x1;
	s0 =	simm.s32 $0x30;
	s9 =	rddreg [dreg:$0x4]  }
0x46: {  	[tilespmem:s26], [sflag:$0x1] =	stream.indirect_vreg.gather [hbm4b:s7+s2], $0x80, v3, vm0, $0xb8;
	[tilespmem:$0x10680] =	vst v63  }
.LBB2_4:
0x47: {  	v3 =	vld [tilespmem:s0+$0xFFFFFFF0];
	_ =	sdelay $0x4  }
0x48: {  	v4 =	vshll.u32 v3, $0x3  }
0x49: {  	v3 =	vand.u32 $0x7, v3;
	v4 =	vand.u32 $0xFFFFFFC0, v4  }
0x4a: {  	v3 =	vor.u32 v3, v4  }
0x4b: {  	v4 =	vperm.xlane v3, v0;
	_ =	sdelay $0x1  }
0x4c: {  	v4 =	vadd.s32 v1, v4;
	_ =	sdelay $0x4  }
0x4d: {  	[tilespmem:s11], [sflag:$0x1] =	stream.indirect_vreg.gather [hbm4b:s3+s2], $0x80, v4, vm0, $0xb8;
	[tilespmem:$0x10680] =	vst v63  }
0x4e: {  	v3 =	vperm.xlane v3, v2  }
0x4f: {  	[tilespmem:s12], [sflag:$0x1] =	stream.indirect_vreg.gather [hbm4b:s5+s2], $0x80, v4, vm0, $0xb8;
	[tilespmem:$0x10680] =	vst v63  }
0x50: {  	v3 =	vadd.s32 v1, v3  }
0x51: {  	[tilespmem:s13], [sflag:$0x1] =	stream.indirect_vreg.gather [hbm4b:s6+s2], $0x80, v4, vm0, $0xb8;
	[tilespmem:$0x10680] =	vst v63  }
0x52: {  	_ = 	snop  }
0x53: {  	[tilespmem:s14], [sflag:$0x1] =	stream.indirect_vreg.gather [hbm4b:s7+s2], $0x80, v4, vm0, $0xb8;
	[tilespmem:$0x10680] =	vst v63  }
0x54: {  	_ = 	snop  }
0x55: {  	[tilespmem:s15], [sflag:$0x1] =	stream.indirect_vreg.gather [hbm4b:s3+s2], $0x80, v3, vm0, $0xb8;
	[tilespmem:$0x10680] =	vst v63  }
0x56: {  	_ = 	snop  }
0x57: {  	[tilespmem:s16], [sflag:$0x1] =	stream.indirect_vreg.gather [hbm4b:s5+s2], $0x80, v3, vm0, $0xb8;
	[tilespmem:$0x10680] =	vst v63  }
0x58: {  	_ = 	snop  }
0x59: {  	[tilespmem:s17], [sflag:$0x1] =	stream.indirect_vreg.gather [hbm4b:s6+s2], $0x80, v3, vm0, $0xb8;
	[tilespmem:$0x10680] =	vst v63  }
0x5a: {  	_ = 	snop  }
0x5b: {  	[tilespmem:s18], [sflag:$0x1] =	stream.indirect_vreg.gather [hbm4b:s7+s2], $0x80, v3, vm0, $0xb8;
	[tilespmem:$0x10680] =	vst v63  }
0x5c: {  	v3 =	vld [tilespmem:s0+$0x0];
	_ =	sdelay $0x4  }
0x5d: {  	v63 =	vshll.u32 v3, $0x3  }
0x5e: {  	v3 =	vand.u32 $0x7, v3;
	v4 =	vand.u32 $0xFFFFFFC0, v63  }
0x5f: {  	v3 =	vor.u32 v3, v4  }
0x60: {  	v4 =	vperm.xlane v3, v0;
	_ =	sdelay $0x1  }
0x61: {  	v4 =	vadd.s32 v1, v4;
	_ =	sdelay $0x4  }
0x62: {  	[tilespmem:s19], [sflag:$0x1] =	stream.indirect_vreg.gather [hbm4b:s3+s2], $0x80, v4, vm0, $0xb8;
	[tilespmem:$0x10680] =	vst v63  }
0x63: {  	v3 =	vperm.xlane v3, v2  }
0x64: {  	[tilespmem:s20], [sflag:$0x1] =	stream.indirect_vreg.gather [hbm4b:s5+s2], $0x80, v4, vm0, $0xb8;
	[tilespmem:$0x10680] =	vst v63  }
0x65: {  	v3 =	vadd.s32 v1, v3  }
0x66: {  	[tilespmem:s21], [sflag:$0x1] =	stream.indirect_vreg.gather [hbm4b:s6+s2], $0x80, v4, vm0, $0xb8;
	[tilespmem:$0x10680] =	vst v63  }
0x67: {  	_ = 	snop  }
0x68: {  	[tilespmem:s22], [sflag:$0x1] =	stream.indirect_vreg.gather [hbm4b:s7+s2], $0x80, v4, vm0, $0xb8;
	[tilespmem:$0x10680] =	vst v63  }
0x69: {  	_ = 	snop  }
0x6a: {  	[tilespmem:s23], [sflag:$0x1] =	stream.indirect_vreg.gather [hbm4b:s3+s2], $0x80, v3, vm0, $0xb8;
	[tilespmem:$0x10680] =	vst v63  }
0x6b: {  	_ = 	snop  }
0x6c: {  	[tilespmem:s24], [sflag:$0x1] =	stream.indirect_vreg.gather [hbm4b:s5+s2], $0x80, v3, vm0, $0xb8;
	[tilespmem:$0x10680] =	vst v63  }
0x6d: {  	_ = 	snop  }
0x6e: {  	[tilespmem:s25], [sflag:$0x1] =	stream.indirect_vreg.gather [hbm4b:s6+s2], $0x80, v3, vm0, $0xb8;
	[tilespmem:$0x10680] =	vst v63  }
0x6f: {  	_ = 	snop  }
0x70: {  	[tilespmem:s26], [sflag:$0x1] =	stream.indirect_vreg.gather [hbm4b:s7+s2], $0x80, v3, vm0, $0xb8;
	[tilespmem:$0x10680] =	vst v63  }
0x71: {  	_ =	swait.ge [sflag:s29], $0x8000  }
0x72: {  	[sflag:s29] =	ssyncset.done $0x0  }
0x73: {  	s8 =	simm.s32 $0x3;
	[sflag:s29] =	ssyncadd.s32 $0xFFFF8000  }
0x74: {  	[hbm4b:s9+s2] =	stream.linear.scatter [tilespmem:s30], [sflag:$0x3], $0x8000, $0x38;
	[tilespmem:$0x10680] =	vst v63  }
.LBB2_5:
0x75: {  	s1 =	sadd.s32 $0x1, s1  }
0x76: {  	p0 =	sne.s32 s1, $0x32  }
.Ltmp3:
0x77: {  	_ = 	snop;
	(pc) =	sbr.rel @!p0 .LBB2_6-.Ltmp3, $4  }
0x78: {  	_ = 	snop  }
0x79: {  	_ =	swait.ge [sflag:s8], $0x8000  }
0x7a: {  	[sflag:s8] =	ssyncset.done $0x0  }
0x7b: {  	s9 =	sadd.s32 $0x1000, s9;
	s0 =	sadd.s32 $0x20, s0;
	[sflag:s8] =	ssyncadd.s32 $0xFFFF8000  }
.LBB2_2:
0x7c: {  	s8 =	sand.u32 $0x1, s1  }
0x7d: {  	p0 =	seq.s32 s8, $0x0  }
.Ltmp4:
0x7e: {  	_ = 	snop;
	(pc) =	sbr.rel @p0 .LBB2_4-.Ltmp4, $1  }
0x7f: {  	_ =	sdelay $0x3  }
0x80: {  	p0 =	sgt.u32 s1, $0x30  }
0x81: {  	v3 =	vld @!p0 [tilespmem:s0+$0xFFFFFFF0];
	_ =	sdelay $0x4  }
0x82: {  	v4 =	vshll.u32 @!p0 v3, $0x3  }
0x83: {  	v5 =	vlaneseq.u32 @!p0;
	v3 =	vand.u32 @!p0 $0x7, v3;
	v4 =	vand.u32 @!p0 $0xFFFFFFC0, v4  }
0x84: {  	v6 =	vshrl.u32 @!p0 v5, $0x3;
	v3 =	vor.u32 @!p0 v3, v4;
	v4 =	vand.u32 @!p0 $0x7, v5  }
0x85: {  	v6 =	vmul.u32 @!p0 $0x8, v6;
	v7 =	vperm.xlane @!p0 v3, v4;
	_ =	sdelay $0x1  }
0x86: {  	v7 =	vadd.s32 @!p0 v6, v7;
	_ =	sdelay $0x3  }
0x87: {  	vm1 =	vmmov @!p0 $0xffff;
	s8 =	simm.s32 @!p0 $0x0;
	s4 =	simm.s32 @!p0 $0x8680  }
0x88: {  	v5 =	vor.u32 @!p0 $0x8, v5;
	[tilespmem:s4], [sflag:$0x2] =	stream.indirect_vreg.gather @!p0 [hbm4b:s3+s8], $0x80, v7, vm1, $0xb8;
	[tilespmem:$0x10680] =	vst v63  }
0x89: {  	v3 =	vperm.xlane @!p0 v3, v5;
	s4 =	simm.s32 @!p0 $0x8E80  }
0x8a: {  	[tilespmem:s4], [sflag:$0x2] =	stream.indirect_vreg.gather @!p0 [hbm4b:s5+s8], $0x80, v7, vm1, $0xb8;
	[tilespmem:$0x10680] =	vst v63  }
0x8b: {  	v3 =	vadd.s32 @!p0 v6, v3;
	s4 =	simm.s32 @!p0 $0x9680  }
0x8c: {  	[tilespmem:s4], [sflag:$0x2] =	stream.indirect_vreg.gather @!p0 [hbm4b:s6+s8], $0x80, v7, vm1, $0xb8;
	[tilespmem:$0x10680] =	vst v63  }
0x8d: {  	s4 =	simm.s32 @!p0 $0x9E80  }
0x8e: {  	[tilespmem:s4], [sflag:$0x2] =	stream.indirect_vreg.gather @!p0 [hbm4b:s7+s8], $0x80, v7, vm1, $0xb8;
	[tilespmem:$0x10680] =	vst v63  }
0x8f: {  	s4 =	simm.s32 @!p0 $0xA680  }
0x90: {  	[tilespmem:s4], [sflag:$0x2] =	stream.indirect_vreg.gather @!p0 [hbm4b:s3+s8], $0x80, v3, vm1, $0xb8;
	[tilespmem:$0x10680] =	vst v63  }
0x91: {  	s4 =	simm.s32 @!p0 $0xAE80  }
0x92: {  	[tilespmem:s4], [sflag:$0x2] =	stream.indirect_vreg.gather @!p0 [hbm4b:s5+s8], $0x80, v3, vm1, $0xb8;
	[tilespmem:$0x10680] =	vst v63  }
0x93: {  	s4 =	simm.s32 @!p0 $0xB680  }
0x94: {  	[tilespmem:s4], [sflag:$0x2] =	stream.indirect_vreg.gather @!p0 [hbm4b:s6+s8], $0x80, v3, vm1, $0xb8;
	[tilespmem:$0x10680] =	vst v63  }
0x95: {  	s4 =	simm.s32 @!p0 $0xBE80  }
0x96: {  	[tilespmem:s4], [sflag:$0x2] =	stream.indirect_vreg.gather @!p0 [hbm4b:s7+s8], $0x80, v3, vm1, $0xb8;
	[tilespmem:$0x10680] =	vst v63  }
0x97: {  	v3 =	vld @!p0 [tilespmem:s0+$0x0];
	_ =	sdelay $0x4  }
0x98: {  	v7 =	vshll.u32 @!p0 v3, $0x3  }
0x99: {  	v3 =	vand.u32 @!p0 $0x7, v3;
	v7 =	vand.u32 @!p0 $0xFFFFFFC0, v7  }
0x9a: {  	v3 =	vor.u32 @!p0 v3, v7  }
0x9b: {  	v4 =	vperm.xlane @!p0 v3, v4;
	_ =	sdelay $0x1  }
0x9c: {  	v4 =	vadd.s32 @!p0 v6, v4;
	_ =	sdelay $0x3  }
0x9d: {  	s4 =	simm.s32 @!p0 $0xC680  }
0x9e: {  	[tilespmem:s4], [sflag:$0x2] =	stream.indirect_vreg.gather @!p0 [hbm4b:s3+s8], $0x80, v4, vm1, $0xb8;
	[tilespmem:$0x10680] =	vst v63  }
0x9f: {  	v3 =	vperm.xlane @!p0 v3, v5;
	s4 =	simm.s32 @!p0 $0xCE80  }
0xa0: {  	[tilespmem:s4], [sflag:$0x2] =	stream.indirect_vreg.gather @!p0 [hbm4b:s5+s8], $0x80, v4, vm1, $0xb8;
	[tilespmem:$0x10680] =	vst v63  }
0xa1: {  	v3 =	vadd.s32 @!p0 v6, v3;
	s4 =	simm.s32 @!p0 $0xD680  }
0xa2: {  	[tilespmem:s4], [sflag:$0x2] =	stream.indirect_vreg.gather @!p0 [hbm4b:s6+s8], $0x80, v4, vm1, $0xb8;
	[tilespmem:$0x10680] =	vst v63  }
0xa3: {  	s4 =	simm.s32 @!p0 $0xDE80  }
0xa4: {  	[tilespmem:s4], [sflag:$0x2] =	stream.indirect_vreg.gather @!p0 [hbm4b:s7+s8], $0x80, v4, vm1, $0xb8;
	[tilespmem:$0x10680] =	vst v63  }
0xa5: {  	s4 =	simm.s32 @!p0 $0xE680  }
0xa6: {  	[tilespmem:s4], [sflag:$0x2] =	stream.indirect_vreg.gather @!p0 [hbm4b:s3+s8], $0x80, v3, vm1, $0xb8;
	[tilespmem:$0x10680] =	vst v63  }
0xa7: {  	s4 =	simm.s32 @!p0 $0xEE80  }
0xa8: {  	[tilespmem:s4], [sflag:$0x2] =	stream.indirect_vreg.gather @!p0 [hbm4b:s5+s8], $0x80, v3, vm1, $0xb8;
	[tilespmem:$0x10680] =	vst v63  }
0xa9: {  	s4 =	simm.s32 @!p0 $0xF680  }
0xaa: {  	[tilespmem:s4], [sflag:$0x2] =	stream.indirect_vreg.gather @!p0 [hbm4b:s6+s8], $0x80, v3, vm1, $0xb8;
	[tilespmem:$0x10680] =	vst v63  }
0xab: {  	s4 =	simm.s32 @!p0 $0xFE80  }
0xac: {  	[tilespmem:s4], [sflag:$0x2] =	stream.indirect_vreg.gather @!p0 [hbm4b:s7+s8], $0x80, v3, vm1, $0xb8;
	[tilespmem:$0x10680] =	vst v63  }
.Ltmp5:
0xad: {  	_ = 	snop;
	(pc) =	sbr.rel .LBB2_5-.Ltmp5, $4  }
0xae: {  	_ =	swait.ge [sflag:s28], $0x8000  }
0xaf: {  	[sflag:s28] =	ssyncset.done $0x0  }
0xb0: {  	s8 =	simm.s32 $0x4;
	[sflag:s28] =	ssyncadd.s32 $0xFFFF8000  }
0xb1: {  	[hbm4b:s9+s2] =	stream.linear.scatter [tilespmem:s11], [sflag:$0x4], $0x8000, $0x38;
	[tilespmem:$0x10680] =	vst v63  }
.LBB2_7:
0xb2: {  	_ =	sfence.sel $0x180000  }
0xb3: {  	[bflag:$0x0] =	sbarrier.arrive $0xFFFF  }
0xb4: {  	_ =	strace $0x90000047  }
0xb5: {  	s0 =	stileid.u32;
	[bflag:$0x2] =	sbarrier.arrive $0xFFFF  }
0xb6: {  	p0 =	sne.s32 s0, $0x0;
	s0 =	rddreg [dreg:$0x1]  }
0xb7: {  	s0 =	sadd.s32 @!p0 $0x100000, s0  }
0xb8: {  	[sflag:s0] =	ssyncadd.tile.s32 @!p0 $0x1;
	_ =	shalt  }
.Lfunc_end2:
_tile_overlayer_lowered:
.L_overlay_start_2:
0xb9: {  	(tag) =	ssettag $0x2  }
0xba: {  	s0 =	rddreg [dreg:$0x0];
	s2 =	stileid.u32  }
0xbb: {  	s1 =	rddreg [dreg:$0x1];
	p0 =	sne.s32 s2, $0x0  }
0xbc: {  	s3 =	rddreg [dreg:$0x2];
	[bflag:$0x3] =	sbarrier.arrive $0xFFFF;
	s2 =	simm.s32 @!p0 $0x1C03  }
0xbd: {  	[timem:s3], [sflag:s2] =	dma.local @!p0 [hbm:s0], s1  }
0xbe: {  	s0 =	simm.s32 @!p0 $0x3  }
0xbf: {  	_ =	swait.ge @!p0 [sflag:s0], s1  }
0xc0: {  	s1 =	ssub.s32 @!p0 $0x0, s1;
	[sflag:s0] =	ssyncset.done @!p0 $0x0  }
0xc1: {  	[sflag:s0] =	ssyncadd.s32 @!p0 s1  }
0xc2: {  	[bflag:$0x3] =	sbarrier.arrive $0xFFFF  }
0xc3: {  	_ =	shalt  }

// kernel: sparse-core-data-format-call.cloned.1.call-start
scs
called_computation_lowered:
.L_overlay_start_0:
0x0: {  	s1 =	sld [smem:$0x3FD9]  }
0x1: {  	s2 =	sld [smem:$0x3FFE];
	_ =	sdelay $0x1  }
0x2: {  	s3 =	srdreg.scid  }
0x3: {  	s0 =	sand.u32 $0x1, s3  }
0x4: {  	s17 =	sshll.u32 s0, $0xA;
	s1 =	sadd.s32 s2, s1  }
0x5: {  	s1 =	sadd.s32 s1, s17  }
0x6: {  	[smem:$0x3FBF] =	sst s1  }
0x7: {  	_ = 	snop  }
0x8: {  	(tm) =	ssettm $0x1  }
0x9: {  	s18 =	sld [smem:$0x3FFB];
	_ =	sdelay $0x3  }
0xa: {  	_ =	strace s18  }
0xb: {  	s1 =	sld [smem:$0x3FFC];
	_ =	sdelay $0x3  }
0xc: {  	_ =	strace s1  }
0xd: {  	s1 =	sld [smem:$0x3FFD];
	_ =	sdelay $0x3  }
0xe: {  	_ =	strace s1  }
0xf: {  	_ =	strace $0x8FFFFFFF  }
0x10: {  	s19 =	sld [smem:$0x3FDB];
	_ =	sdelay $0x1  }
0x11: {  	s20 =	simm.s32 $_scs_section_size  }
0x12: {  	s4 =	simm.s32 $_size__tile_overlayer_lowered;
	s5 =	simm.s32 $_tile_overlayer_lowered  }
0x13: {  	s23 =	simm.s32 $0x1BFF;
	s22 =	sshll.u32 s5, $0x1;
	s1 =	sadd.s32 s20, s19  }
0x14: {  	s6 =	simm.s32 $0x0;
	s21 =	sshll.u32 s4, $0x1;
	s4 =	sadd.s32 s22, s1  }
0x15: {  	[timem:s6], [sflag:s23] =	dma.local [hbm:s4], s21  }
0x16: {  	_ =	swait.ge [sflag:s23], s21  }
0x17: {  	s2 =	ssub.s32 $0x0, s21;
	[sflag:s23] =	ssyncset.done $0x0  }
0x18: {  	[sflag:s23] =	ssyncadd.s32 s2;
	_ =	sdelay $0x1  }
0x19: {  	s24 =	simm.s32 $0x1B8B  }
0x1a: {  	_ =	swait.ge [sflag:s24], $0x1  }
0x1b: {  	[sflag:s24] =	ssyncset.done $0x0  }
0x1c: {  	s26 =	simm.s32 $0x1B8E;
	s25 =	sld [smem:$0x3FFE];
	[sflag:s24] =	ssyncadd.s32 $0xFFFFFFFF  }
0x1d: {  	s27 =	simm.s32 $execute0_lowered;
	[smem:$0x3FD2] =	sst s26  }
0x1e: {  	s4 =	sshll.u32 s27, $0x1;
	_ =	strace $0x80000049;
	[dreg:$0x1] =	wrdreg $0xFFFFFFFF  }
0x1f: {  	s28 =	simm.s32 $_size_execute0_lowered;
	s1 =	sadd.s32 s1, s4;
	[dreg:$0x0] =	wrdreg $0x0  }
0x20: {  	s4 =	sshll.u32 s28, $0x1;
	[dreg:$0x2] =	wrdreg s1  }
0x21: {  	[dreg:$0x3] =	wrdreg s4  }
0x22: {  	[dreg:$0x4] =	wrdreg $0xC0  }
0x23: {  	_ =	task [dreg:s6], $0x5FFFF  }
0x24: {  	[dreg:$0x1] =	wrdreg $0xFFFFFFFF  }
0x25: {  	[dreg:$0x0] =	wrdreg $0x60  }
0x26: {  	[dreg:$0x2] =	wrdreg s25  }
0x27: {  	[dreg:$0x3] =	wrdreg $0x9  }
0x28: {  	_ =	task.clear_ibuf [dreg:s6], $0x4FFFF;
	_ =	strace $0x90000049  }
0x29: {  	s29 =	simm.s32 $0x9;
	_ =	strace $0x8000004B  }
0x2a: {  	_ =	swait.ge [sflag:s29], $0x1  }
0x2b: {  	[sflag:s29] =	ssyncadd.s32 $0xFFFFFFFF  }
0x2c: {  	_ =	strace $0x9000004B  }
0x2d: {  	_ =	sfence  }
0x2e: {  	s30 =	sld [smem:$0x0];
	_ =	sdelay $0x2  }
0x2f: {  	s31 =	sshll.u32 s3, $0xD;
	s3 =	sshrl.u32 s3, $0x2  }
0x30: {  	s2 =	sand.u32 $0x4000, s31;
	s1 =	sadd.s32 s3, s30  }
0x31: {  	s0 =	sor.u32 s2, s0;
	s1 =	sshll.u32 s1, $0x11  }
0x32: {  	s0 =	sor.u32 s1, s0  }
0x33: {  	s0 =	sadd.s32 $0x8F2B, s0  }
0x34: {  	[sflag:s0] =	ssyncadd.remote.s32 $0x1  }
0x35: {  	_ =	sfence.sel $0xFFFF  }
0x36: {  	[dreg:$0x0] =	wrdreg $0xFFFFFFFF;
	(pc) =	sbr.abs _section_cstart, $3  }
0x37: {  	[dreg:$0x1] =	wrdreg $0xFFFFFFFF  }
0x38: {  	_ =	task.clear_ibuf [dreg:s6], $0x2FFFF;
	_ =	strace $0x9FFFFFFF  }
0x39: {  	(tm) =	ssettm $0x7FFFFFFF  }
tec
execute0_lowered:
.L_overlay_start_1:
0x0: {  	(tag) =	ssettag $0x1  }
0x1: {  	s0 =	stileid.u32;
	s7 =	rddreg [dreg:$0x0]  }
0x2: {  	s1 =	rddreg [dreg:$0x1];
	s3 =	srdreg.scid;
	_ =	strace $0x8000004A  }
0x3: {  	s5 =	simm.s32 $0x1;
	s30 =	simm.s32 $0x2;
	s2 =	sshll.u32 s0, $0x6  }
0x4: {  	s14 =	simm.s32 $0x0;
	s11 =	simm.s32 $0xE000;
	s2 =	sand.u32 $0x380, s2  }
0x5: {  	s16 =	simm.s32 $0x0;
	s15 =	simm.s32 $0x0;
	s6 =	ssub.s32 $0x400, s2  }
0x6: {  	s13 =	simm.s32 $0x0;
	s3 =	sshll.u32 s3, $0x7;
	s8 =	sand.u32 $0x380, s6  }
0x7: {  	s4 =	sand.u32 $0x1, s0;
	p0 =	sne.s32 s8, $0x0;
	s8 =	simm.s32 $0x1  }
0x8: {  	s3 =	sand.u32 $0x80, s3;
	s6 =	sshrl.u32 s6, $0xA;
	s8 =	simm.s32 @!p0 $0x0  }
0x9: {  	s10 =	sxor.u32 $0x19, s4;
	s9 =	ssub.s32 $0x100, s3;
	s6 =	sadd.s32 s8, s6  }
0xa: {  	[sflag:s5] =	ssyncpa.u1 $0x0;
	s28 =	sshrl.u32 s9, $0x7;
	s6 =	smul.u32 s10, s6  }
.Ltmp0:
0xb: {  	s9 =	sshrl.u32 s9, $0x8;
	s8 =	sand.u32 $0x1, s28;
	(pc) =	sbr.rel .LBB1_1-.Ltmp0, $4  }
0xc: {  	[sflag:s30] =	ssyncpa.u1 $0x0;
	s12 =	smov.u32 s4;
	s8 =	sadd.s32 s9, s8  }
0xd: {  	s29 =	sadd.s32 s3, s7;
	s31 =	sshll.u32 s2, $0x5;
	s6 =	smul.u32 s8, s6  }
0xe: {  	s7 =	sadd.s32 $0x1C00, s7;
	p0 =	por $0x0, $0x0;
	s8 =	sadd.s32 s31, s29  }
0xf: {  	s10 =	simm.s32 $0x80;
	s8 =	sadd.s32 $0x86F600, s8;
	s9 =	sadd.s32 $0x1, s6  }
.LBB1_4:
0x10: {  	v5 =	vld [tilespmem:s20+$0xFFFFFFD0];
	[tilespmem:s19+$0x2040 ss:$0x81] =	vst.msk $0xffff, v2  }
0x11: {  	v58 =	vld [tilespmem:s20+$0xFFFFFFE0];
	[tilespmem:s19+$0x2850 ss:$0x81] =	vst.msk $0xffff, v4;
	s22 =	sshll.u32 s15, $0xA  }
0x12: {  	s21 =	sshra.s32 s21, $0x2;
	v59 =	vld [tilespmem:s20+$0xFFFFFFF0];
	[tilespmem:s19+$0x3060 ss:$0x81] =	vst.msk $0xffff, v3;
	s16 =	sshll.u32 s16, $0x3;
	s22 =	sand.u32 $0xFFFFE000, s22  }
0x13: {  	v60 =	vld [tilespmem:s20+$0x0];
	[tilespmem:s19+$0x0 ss:$0x81] =	vst.msk $0xffff, v0;
	s18 =	sadd.s32 s21, s18;
	s16 =	sor.u32 s16, s22  }
0x14: {  	v61 =	vld [tilespmem:s20+$0x10];
	[tilespmem:s18+$0x3870 ss:$0x81] =	vst.msk $0xffff, v1;
	s16 =	sshrl.u32 s16, $0xA  }
0x15: {  	v62 =	vld [tilespmem:s20+$0x20];
	s30 =	smulhi.u32 $0x4924925, s16;
	[tilespmem:s18+$0x810 ss:$0x81] =	vst.msk $0xffff, v5  }
0x16: {  	v63 =	vld [tilespmem:s20+$0xFFFFFFC0];
	[tilespmem:s18+$0x1020 ss:$0x81] =	vst.msk $0xffff, v58  }
0x17: {  	s31 =	sshll.u32 s15, $0x4;
	[tilespmem:s18+$0x1830 ss:$0x81] =	vst.msk $0xffff, v59;
	s19 =	smul.u32 $0x38, s30  }
0x18: {  	s14 =	smul.u32 $0x1C00, s14;
	s15 =	sand.u32 $0x70, s31;
	[tilespmem:s18+$0x2040 ss:$0x81] =	vst.msk $0xffff, v60  }
0x19: {  	s15 =	sadd.s32 s7, s15;
	[tilespmem:s18+$0x2850 ss:$0x81] =	vst.msk $0xffff, v61;
	s16 =	ssub.s32 s16, s19  }
0x1a: {  	s14 =	sadd.s32 s14, s15;
	[tilespmem:s18+$0x3060 ss:$0x81] =	vst.msk $0xffff, v62;
	s16 =	sshll.u32 s16, $0x7  }
0x1b: {  	[tilespmem:s18+$0x0 ss:$0x81] =	vst.msk $0xffff, v63;
	s14 =	sadd.s32 s16, s14  }
0x1c: {  	[hbm4b:s14+s10] =	stream.strided.scatter [tilespmem:s17], [sflag:$0x2], $0x4000, s11, s10, $0x20;
	[tilespmem:$0x10100] =	vst v63  }
.LBB1_5:
0x1d: {  	s17 =	sadd.s32 $0x2, s12  }
0x1e: {  	p2 =	sgt.s32 s17, $0x30  }
0x1f: {  	s17 =	smov.u32 @p2 s4;
	p2 =	sne.s32 s13, s9  }
.Ltmp1:
0x20: {  	p1 =	slt.u32 s13, $0x2;
	(pc) =	sbr.rel @!p2 .LBB1_6-.Ltmp1, $4  }
0x21: {  	s18 =	sadd.s32 $0x1, s13;
	s14 =	simm.s32 @!p1 $0x2  }
0x22: {  	s15 =	smov.u32 s12;
	p0 =	por !p0, !p0;
	_ =	swait.ge @!p1 [sflag:s14], $0x4000  }
0x23: {  	s16 =	smov.u32 s2;
	s13 =	smov.u32 s18;
	[sflag:s14] =	ssyncset.done @!p1 $0x0  }
0x24: {  	s12 =	smov.u32 s17;
	[sflag:s14] =	ssyncadd.s32 @!p1 $0xFFFFC000;
	s14 =	smov.u32 s3  }
.LBB1_1:
0x25: {  	p1 =	sge.u32 s13, s6  }
0x26: {  	s31 =	sadd.s32 $0xFFFFFFFF, s13;
	s17 =	sxor.u32 @!p1 $0xFFFFFFFF, s13  }
0x27: {  	s18 =	sshll.u32 @!p1 s12, $0xF;
	s19 =	simm.s32 @!p1 $0x400;
	s17 =	sshll.u32 @!p1 s17, $0xE  }
0x28: {  	s20 =	simm.s32 @!p1 $0x800;
	s18 =	sadd.s32 @!p1 s18, s8;
	s17 =	sand.u32 @!p1 $0x4000, s17  }
0x29: {  	[tilespmem:s17], [sflag:$0x1] =	stream.strided.gather @!p1 [hbm4b:s18+s19], $0x4000, s20, s19, $0x38;
	[tilespmem:$0x10100] =	vst v63  }
0x2a: {  	p1 =	sge.u32 s31, s6  }
.Ltmp2:
0x2b: {  	_ = 	snop;
	(pc) =	sbr.rel @p1 .LBB1_5-.Ltmp2, $1  }
0x2c: {  	_ =	sdelay $0x3  }
0x2d: {  	s17 =	simm.s32 $0x1  }
0x2e: {  	_ =	swait.ge [sflag:s5], $0x4000;
	s17 =	simm.s32 @!p0 $0x0  }
0x2f: {  	[sflag:s5] =	ssyncset.done $0x0;
	s18 =	sshll.u32 s17, $0xE  }
0x30: {  	[sflag:s5] =	ssyncadd.s32 $0xFFFFC000;
	s20 =	sor.u32 $0x40, s18  }
0x31: {  	s17 =	smul.u32 $0x10200, s17;
	v0 =	vld [tilespmem:s20+$0x30]  }
0x32: {  	v1 =	vld [tilespmem:s20+$0xFFFFFFD0]  }
0x33: {  	s17 =	sshrl.u32 s17, $0x2;
	v5 =	vld [tilespmem:s20+$0xFFFFFFE0]  }
0x34: {  	v6 =	vld [tilespmem:s20+$0xFFFFFFF0];
	s18 =	sor.u32 $0x8000, s17  }
0x35: {  	s31 =	sand.u32 $0x1, s13;
	v2 =	vld [tilespmem:s20+$0x0];
	s19 =	sadd.s32 $0x0, s18  }
0x36: {  	v4 =	vld [tilespmem:s20+$0x10];
	s17 =	smul.u32 $0x10200, s31;
	[tilespmem:s19+$0x3870 ss:$0x81] =	vst.msk $0xffff, v0  }
0x37: {  	v3 =	vld [tilespmem:s20+$0x20];
	[tilespmem:s19+$0x810 ss:$0x81] =	vst.msk $0xffff, v1  }
0x38: {  	s17 =	sshrl.u32 s17, $0x2;
	v0 =	vld [tilespmem:s20+$0xFFFFFFC0];
	[tilespmem:s19+$0x1020 ss:$0x81] =	vst.msk $0xffff, v5;
	s20 =	sadd.s32 $0x80, s20  }
0x39: {  	s21 =	simm.s32 $0x4;
	s22 =	simm.s32 $0x8;
	s17 =	sor.u32 $0x8000, s17;
	[tilespmem:s19+$0x1830 ss:$0x81] =	vst.msk $0xffff, v6;
	v1 =	vld [tilespmem:s20+$0x30]  }
.LBB1_3:
0x3a: {  	p1 =	sne.s32 s22, $0x1FC;
	v5 =	vld [tilespmem:s20+$0xFFFFFFD0];
	[tilespmem:s19+$0x2040 ss:$0x81] =	vst.msk $0xffff, v2  }
0x3b: {  	v6 =	vld [tilespmem:s20+$0xFFFFFFE0];
	[tilespmem:s19+$0x2850 ss:$0x81] =	vst.msk $0xffff, v4  }
0x3c: {  	s23 =	sshra.s32 s21, $0x2;
	s21 =	smov.u32 s22;
	v7 =	vld [tilespmem:s20+$0xFFFFFFF0];
	[tilespmem:s19+$0x3060 ss:$0x81] =	vst.msk $0xffff, v3  }
.Ltmp3:
0x3d: {  	v2 =	vld [tilespmem:s20+$0x0];
	[tilespmem:s19+$0x0 ss:$0x81] =	vst.msk $0xffff, v0;
	s19 =	sadd.s32 s23, s18;
	(pc) =	sbr.rel @p1 .LBB1_3-.Ltmp3, $4  }
0x3e: {  	v4 =	vld [tilespmem:s20+$0x10];
	[tilespmem:s19+$0x3870 ss:$0x81] =	vst.msk $0xffff, v1  }
0x3f: {  	[tilespmem:s19+$0x810 ss:$0x81] =	vst.msk $0xffff, v5;
	v3 =	vld [tilespmem:s20+$0x20]  }
0x40: {  	v0 =	vld [tilespmem:s20+$0xFFFFFFC0];
	[tilespmem:s19+$0x1020 ss:$0x81] =	vst.msk $0xffff, v6;
	s20 =	sadd.s32 $0x80, s20  }
0x41: {  	s22 =	sadd.s32 $0x4, s22;
	v1 =	vld [tilespmem:s20+$0x30];
	[tilespmem:s19+$0x1830 ss:$0x81] =	vst.msk $0xffff, v7  }
.Ltmp4:
0x42: {  	_ = 	snop;
	(pc) =	sbr.rel .LBB1_4-.Ltmp4, $1  }
0x43: {  	_ =	sdelay $0x3  }
.LBB1_6:
0x44: {  	_ =	sfence.sel $0x180000  }
0x45: {  	s2 =	simm.s32 $0x1;
	[bflag:$0x0] =	sbarrier.arrive $0xFFFF  }
0x46: {  	s31 =	simm.s32 $0x2;
	[sflag:s2] =	ssyncpa.u1 $0x1  }
0x47: {  	[sflag:s31] =	ssyncpa.u1 $0x1  }
0x48: {  	p0 =	sne.s32 s0, $0x0;
	_ =	strace $0x9000004A  }
0x49: {  	s0 =	sadd.s32 @!p0 $0x100000, s1;
	[bflag:$0x2] =	sbarrier.arrive $0xFFFF  }
0x4a: {  	[sflag:s0] =	ssyncadd.tile.s32 @!p0 $0x1;
	_ =	shalt  }
.Lfunc_end1:
_tile_overlayer_lowered:
.L_overlay_start_2:
0x4b: {  	(tag) =	ssettag $0x2  }
0x4c: {  	s0 =	rddreg [dreg:$0x0];
	s2 =	stileid.u32  }
0x4d: {  	s1 =	rddreg [dreg:$0x1];
	p0 =	sne.s32 s2, $0x0  }
0x4e: {  	s3 =	rddreg [dreg:$0x2];
	[bflag:$0x3] =	sbarrier.arrive $0xFFFF;
	s2 =	simm.s32 @!p0 $0x1C01  }
0x4f: {  	[timem:s3], [sflag:s2] =	dma.local @!p0 [hbm:s0], s1  }
0x50: {  	s0 =	simm.s32 @!p0 $0x1  }
0x51: {  	_ =	swait.ge @!p0 [sflag:s0], s1  }
0x52: {  	s1 =	ssub.s32 @!p0 $0x0, s1;
	[sflag:s0] =	ssyncset.done @!p0 $0x0  }
0x53: {  	[sflag:s0] =	ssyncadd.s32 @!p0 s1  }
0x54: {  	[bflag:$0x3] =	sbarrier.arrive $0xFFFF  }
0x55: {  	_ =	shalt  }

</sc_bundles>
